<compile_context>
chip_gen: v7x
topology: tpu7x:2x2x1
jax: 0.10.2.dev20260603
libtpu: 0.0.44.dev20260713+nightly
codegen_flags: <defaults>
</compile_context>

<pallas_src>
import functools

import jax
import jax.numpy as jnp
from jax import lax
from jax.experimental import pallas as pl
from jax.experimental.pallas import tpu as pltpu
from jax.experimental.pallas import tpu_sc as plsc


def _pack_bf16_words(a, b):
    ua = lax.bitcast_convert_type(a, jnp.uint32)
    ub = lax.bitcast_convert_type(b, jnp.uint32)
    ra = (ua + jnp.uint32(0x7FFF) + ((ua >> 16) & 1)) >> 16
    rb = (ub + jnp.uint32(0x7FFF) + ((ub >> 16) & 1)) & jnp.uint32(0xFFFF0000)
    return ra | rb


@functools.lru_cache(maxsize=None)
def _edge_proj(E, DE, D, BE):
    F = 128 // DE
    R = E // F
    G = R // BE
    H = F * D // 2
    assert R % BE == 0

    def kern(ea_ref, wa_ref, wb_ref, ba_ref, bb_ref, o_ref):
        a = jnp.dot(ea_ref[...], wa_ref[...],
                    preferred_element_type=jnp.float32) + ba_ref[...]
        b = jnp.dot(ea_ref[...], wb_ref[...],
                    preferred_element_type=jnp.float32) + bb_ref[...]
        o_ref[...] = _pack_bf16_words(a, b)

    return pl.pallas_call(
        kern,
        grid=(G,),
        in_specs=[
            pl.BlockSpec((BE, F * DE), lambda i: (i, 0)),
            pl.BlockSpec((F * DE, H), lambda i: (0, 0)),
            pl.BlockSpec((F * DE, H), lambda i: (0, 0)),
            pl.BlockSpec((1, H), lambda i: (0, 0)),
            pl.BlockSpec((1, H), lambda i: (0, 0)),
        ],
        out_specs=pl.BlockSpec((BE, H), lambda i: (i, 0)),
        out_shape=jax.ShapeDtypeStruct((R, H), jnp.uint32),
    )


@functools.lru_cache(maxsize=None)
def _sc_edge_agg(N, D, E, F):
    info = plsc.get_sparse_core_info()
    NC, NS = info.num_cores, info.num_subcores
    NW = NC * NS
    CH = 80
    PR = CH // F
    NCH = E // CH
    KMAX = -(-NCH // NW)
    assert NCH * CH == E and CH % 8 == 0
    ZR = 80
    NZCH = N // ZR
    assert NZCH * ZR == N
    NZ = -(-NZCH // NS)
    NV = D // 16
    HW = F * D // 2

    mesh = plsc.VectorSubcoreMesh(core_axis_name="c", subcore_axis_name="s")

    @functools.partial(
        pl.kernel,
        mesh=mesh,
        compiler_params=pltpu.CompilerParams(needs_layout_passes=False),
        out_type=jax.ShapeDtypeStruct((NC, N, D), jnp.float32),
        scratch_types=[
            pltpu.VMEM_SHARED((N, D), jnp.float32),
            pltpu.VMEM((CH,), jnp.int32),
            pltpu.VMEM((CH,), jnp.int32),
            pltpu.VMEM((CH,), jnp.int32),
            pltpu.VMEM((CH,), jnp.int32),
            pltpu.VMEM((CH, D), jnp.float32),
            pltpu.VMEM((CH, D), jnp.float32),
            pltpu.VMEM((PR, HW), jnp.uint32),
            pltpu.VMEM((PR, HW), jnp.uint32),
            pltpu.SemaphoreType.DMA,
            pltpu.SemaphoreType.DMA,
            pltpu.SemaphoreType.DMA,
            pltpu.SemaphoreType.DMA,
        ],
    )
    def sc_edge(x_hbm, src_hbm, dst_hbm, e_hbm, out_hbm,
                agg, srcb0, srcb1, dstb0, dstb1, xgb0, xgb1, eb0, eb1,
                gsem0, gsem1, esem0, esem1):
        cid = lax.axis_index("c")
        sid = lax.axis_index("s")
        wid = sid * NC + cid
        srcb = (srcb0, srcb1)
        dstb = (dstb0, dstb1)
        xgb = (xgb0, xgb1)
        eb = (eb0, eb1)
        gsem = (gsem0, gsem1)
        esem = (esem0, esem1)

        def zrow(r, carry):
            for c in range(NV):
                xgb0[r, pl.ds(c * 16, 16)] = jnp.zeros((16,), jnp.float32)
            return carry

        lax.fori_loop(0, ZR, zrow, 0)
        for j in range(NZ):
            ch = sid + j * NS

            @pl.when(ch < NZCH)
            def _z():
                pltpu.sync_copy(xgb0.at[pl.ds(0, ZR)], agg.at[pl.ds(ch * ZR, ZR)])

        plsc.subcore_barrier()

        kpw = NCH // NW
        cbase = wid * kpw

        def issue(c, b):
            pltpu.sync_copy(src_hbm.at[pl.ds(c * CH, CH)], srcb[b])
            pltpu.sync_copy(dst_hbm.at[pl.ds(c * CH, CH)], dstb[b])
            pltpu.async_copy(e_hbm.at[pl.ds(c * PR, PR)], eb[b], esem[b])
            pltpu.async_copy(x_hbm.at[srcb[b]], xgb[b], gsem[b])

        for b in range(2):
            issue(cbase + b, b)

        def body(k2, carry):
            for b in range(2):
                c = cbase + k2 * 2 + b

                @pl.when(c < cbase + kpw)
                def _chunk():
                    pltpu.make_async_copy(
                        e_hbm.at[pl.ds(c * PR, PR)], eb[b], esem[b]).wait()
                    pltpu.make_async_copy(
                        x_hbm.at[srcb[b]], xgb[b], gsem[b]).wait()

                    def crow(p, c2):
                        for j in range(F):
                            rr = p * F + j
                            for t in range(NV // 2):
                                ew = plsc.bitcast(
                                    eb[b][p, pl.ds(j * (D // 2) + t * 16, 16)],
                                    jnp.bfloat16)
                                ea_, eb_ = plsc.unpack(
                                    ew, format=plsc.PackFormat.INTERLEAVED)
                                sla = pl.ds(t * 32, 16)
                                slb = pl.ds(t * 32 + 16, 16)
                                xgb[b][rr, sla] = jnp.maximum(
                                    xgb[b][rr, sla] + ea_, 0.0)
                                xgb[b][rr, slb] = jnp.maximum(
                                    xgb[b][rr, slb] + eb_, 0.0)
                        return c2

                    lax.fori_loop(0, PR, crow, 0)
                    pltpu.sync_copy(xgb[b], agg.at[dstb[b]], add=True)

                    @pl.when(c + 2 < cbase + kpw)
                    def _next():
                        issue(c + 2, b)

            return carry

        lax.fori_loop(0, (KMAX + 1) // 2, body, 0)

        plsc.subcore_barrier()
        for j in range(NZ):
            ch = sid + j * NS

            @pl.when(ch < NZCH)
            def _o():
                sl = pl.ds(ch * ZR, ZR)
                pltpu.sync_copy(agg.at[sl], out_hbm.at[cid, sl])

    return sc_edge


@functools.lru_cache(maxsize=None)
def _dense1(N, D, B, BN):
    G = N // BN
    SW = 3 * D

    def kern(x_ref, agg_ref, bt_ref, w1_ref, b1_ref, w2_ref, b2_ref,
             h2_ref, st_ref):
        h = x_ref[...] + agg_ref[0] + agg_ref[1]
        t = jnp.dot(h, w1_ref[...], preferred_element_type=jnp.float32) + b1_ref[...]
        t = t * jax.nn.sigmoid(t)
        h2 = jnp.dot(t, w2_ref[...], preferred_element_type=jnp.float32) + b2_ref[...]
        h2_ref[...] = h2
        bt = bt_ref[0, 0, :]
        oh = (lax.broadcasted_iota(jnp.int32, (B, BN), 0) == bt[None, :]).astype(
            jnp.float32)
        cat = jnp.concatenate([h2, h2 * h2, jnp.ones((BN, D), jnp.float32)], axis=1)

        @pl.when(pl.program_id(0) == 0)
        def _init():
            st_ref[...] = jnp.zeros_like(st_ref)

        st_ref[...] += jnp.dot(oh, cat, preferred_element_type=jnp.float32)

    return pl.pallas_call(
        kern,
        grid=(G,),
        in_specs=[
            pl.BlockSpec((BN, D), lambda i: (i, 0)),
            pl.BlockSpec((2, BN, D), lambda i: (0, i, 0)),
            pl.BlockSpec((1, 1, BN), lambda i: (i, 0, 0)),
            pl.BlockSpec((D, D), lambda i: (0, 0)),
            pl.BlockSpec((1, D), lambda i: (0, 0)),
            pl.BlockSpec((D, D), lambda i: (0, 0)),
            pl.BlockSpec((1, D), lambda i: (0, 0)),
        ],
        out_specs=[
            pl.BlockSpec((BN, D), lambda i: (i, 0)),
            pl.BlockSpec((B, SW), lambda i: (0, 0)),
        ],
        out_shape=[
            jax.ShapeDtypeStruct((N, D), jnp.float32),
            jax.ShapeDtypeStruct((B, SW), jnp.float32),
        ],
    )


@functools.lru_cache(maxsize=None)
def _dense2(N, D, B, TD, BN):
    G = N // BN
    SW = 3 * D

    def kern(x_ref, h2_ref, bt_ref, st_ref, te_ref, gw_ref, gb_ref,
             bw_ref, bb_ref, gnw_ref, gnb_ref, gms_ref, o_ref, ac_ref):
        @pl.when(pl.program_id(0) == 0)
        def _coef():
            counts = jnp.maximum(st_ref[:, 2 * D:3 * D][:, 0:1], 1.0)
            m = st_ref[:, 0:D] / counts
            eh2 = st_ref[:, D:2 * D] / counts
            ms = gms_ref[...]
            var = eh2 - m * m * ms * (2.0 - ms)
            rstd = lax.rsqrt(var + 1e-5)
            gamma = (jnp.dot(te_ref[...], gw_ref[...],
                             preferred_element_type=jnp.float32)
                     + gb_ref[...] + 1.0)
            beta = (jnp.dot(te_ref[...], bw_ref[...],
                            preferred_element_type=jnp.float32)
                    + bb_ref[...])
            w = gnw_ref[...]
            a = gamma * rstd * w
            cc = gamma * (gnb_ref[...] - m * ms * rstd * w) + beta
            ac_ref[...] = jnp.concatenate([a, cc], axis=1)

        bt = bt_ref[0, 0, :]
        oh = (lax.broadcasted_iota(jnp.int32, (BN, B), 1) == bt[:, None]).astype(
            jnp.float32)
        acg = jnp.dot(oh, ac_ref[...], preferred_element_type=jnp.float32)
        z = acg[:, 0:D] * h2_ref[...] + acg[:, D:2 * D]
        o_ref[...] = x_ref[...] + z * jax.nn.sigmoid(z)

    return pl.pallas_call(
        kern,
        grid=(G,),
        in_specs=[
            pl.BlockSpec((BN, D), lambda i: (i, 0)),
            pl.BlockSpec((BN, D), lambda i: (i, 0)),
            pl.BlockSpec((1, 1, BN), lambda i: (i, 0, 0)),
            pl.BlockSpec((B, SW), lambda i: (0, 0)),
            pl.BlockSpec((B, TD), lambda i: (0, 0)),
            pl.BlockSpec((TD, D), lambda i: (0, 0)),
            pl.BlockSpec((1, D), lambda i: (0, 0)),
            pl.BlockSpec((TD, D), lambda i: (0, 0)),
            pl.BlockSpec((1, D), lambda i: (0, 0)),
            pl.BlockSpec((1, D), lambda i: (0, 0)),
            pl.BlockSpec((1, D), lambda i: (0, 0)),
            pl.BlockSpec((1, D), lambda i: (0, 0)),
        ],
        out_specs=pl.BlockSpec((BN, D), lambda i: (i, 0)),
        out_shape=jax.ShapeDtypeStruct((N, D), jnp.float32),
        scratch_shapes=[pltpu.VMEM((B, 2 * D), jnp.float32)],
    )


def kernel(x, edge_index, edge_attr, batch, target_embeddings,
           lin_edge_W, lin_edge_b, nn_W1, nn_b1, nn_W2, nn_b2,
           gn_weight, gn_bias, gn_mean_scale,
           film_gamma_W, film_gamma_b, film_beta_W, film_beta_b):
    N, D = x.shape
    E = edge_index.shape[1]
    DE = edge_attr.shape[1]
    B, TD = target_embeddings.shape

    src = edge_index[0]
    dst = edge_index[1]

    qa = (jnp.arange(D // 2) // 16) * 32 + (jnp.arange(D // 2) % 16)
    qb = qa + 16

    F = 128 // DE
    eyef = jnp.eye(F, dtype=jnp.float32)
    wa_big = jnp.kron(eyef, lin_edge_W[:, qa])
    wb_big = jnp.kron(eyef, lin_edge_W[:, qb])
    ba_big = jnp.tile(lin_edge_b[qa], F).reshape(1, F * D // 2)
    bb_big = jnp.tile(lin_edge_b[qb], F).reshape(1, F * D // 2)
    ea2 = edge_attr.reshape(E // F, F * DE)
    e16 = _edge_proj(E, DE, D, 400)(
        ea2, wa_big, wb_big, ba_big, bb_big).reshape(E, D // 2)

    agg_p = _sc_edge_agg(N, D, E, 1)(x, src, dst, e16)

    BN = 1000
    batch3 = batch.reshape(N // BN, 1, BN)
    h2, stats = _dense1(N, D, B, BN)(
        x, agg_p, batch3, nn_W1, nn_b1.reshape(1, D), nn_W2, nn_b2.reshape(1, D))
    out = _dense2(N, D, B, TD, BN)(
        x, h2, batch3, stats, target_embeddings,
        film_gamma_W, film_gamma_b.reshape(1, D),
        film_beta_W, film_beta_b.reshape(1, D),
        gn_weight.reshape(1, D), gn_bias.reshape(1, D), gn_mean_scale.reshape(1, D))
    return out

# --- scband reference (transcript-rebuilt; emitter-appended) ---
"""Pipeline reference for scband-ginefi-lmblock-53077205844804 (READ-ONLY COPY).

The authoritative reference and input builder live on the scoring server;
editing this copy changes nothing except your own understanding.
"""

import jax, jax.numpy as jnp
import numpy as np

N = 10000
E = 320000
D = 128   # hidden_dim
DE = 16   # edge_dim
B = 64    # num graphs
TD = 128  # target_dim


def setup_inputs(seed: int = 0) -> dict:
    key = jax.random.key(seed)
    ks = jax.random.split(key, 12)
    x = jax.random.normal(ks[0], (N, D), dtype=jnp.float32)
    edge_index = jax.random.randint(ks[1], (2, E), 0, N, dtype=jnp.int32)
    edge_attr = jax.random.normal(ks[2], (E, DE), dtype=jnp.float32)
    batch = jnp.sort(jax.random.randint(ks[3], (N,), 0, B, dtype=jnp.int32))
    target_embeddings = jax.random.normal(ks[4], (B, TD), dtype=jnp.float32)
    # GINEConv edge projection: Linear(edge_dim, hidden_dim)
    lin_edge_W = jax.random.normal(ks[5], (DE, D), dtype=jnp.float32) * 0.05
    lin_edge_b = jnp.zeros((D,), dtype=jnp.float32)
    # GINEConv nn: Linear(D,D) -> SiLU -> Linear(D,D)
    nn_W1 = jax.random.normal(ks[6], (D, D), dtype=jnp.float32) * 0.05
    nn_b1 = jnp.zeros((D,), dtype=jnp.float32)
    nn_W2 = jax.random.normal(ks[7], (D, D), dtype=jnp.float32) * 0.05
    nn_b2 = jnp.zeros((D,), dtype=jnp.float32)
    # GraphNorm params
    gn_weight = jnp.ones((D,), dtype=jnp.float32)
    gn_bias = jnp.zeros((D,), dtype=jnp.float32)
    gn_mean_scale = jnp.ones((D,), dtype=jnp.float32)
    # FiLM params (zero-init per module)
    film_gamma_W = jnp.zeros((TD, D), dtype=jnp.float32)
    film_gamma_b = jnp.zeros((D,), dtype=jnp.float32)
    film_beta_W = jnp.zeros((TD, D), dtype=jnp.float32)
    film_beta_b = jnp.zeros((D,), dtype=jnp.float32)
    return {
        "x": x, "edge_index": edge_index, "edge_attr": edge_attr,
        "batch": batch, "target_embeddings": target_embeddings,
        "lin_edge_W": lin_edge_W, "lin_edge_b": lin_edge_b,
        "nn_W1": nn_W1, "nn_b1": nn_b1, "nn_W2": nn_W2, "nn_b2": nn_b2,
        "gn_weight": gn_weight, "gn_bias": gn_bias, "gn_mean_scale": gn_mean_scale,
        "film_gamma_W": film_gamma_W, "film_gamma_b": film_gamma_b,
        "film_beta_W": film_beta_W, "film_beta_b": film_beta_b,
    }


def reference(x, edge_index, edge_attr, batch, target_embeddings,
              lin_edge_W, lin_edge_b, nn_W1, nn_b1, nn_W2, nn_b2,
              gn_weight, gn_bias, gn_mean_scale,
              film_gamma_W, film_gamma_b, film_beta_W, film_beta_b):
    src = edge_index[0]
    dst = edge_index[1]
    # GINEConv (eps=0): out = nn(x + sum_{j->i} relu(x_j + lin(e_ji)))
    e = edge_attr @ lin_edge_W + lin_edge_b
    msg = jax.nn.relu(x[src] + e)
    agg = jax.ops.segment_sum(msg, dst, num_segments=N)
    h = x + agg
    h = jax.nn.silu(h @ nn_W1 + nn_b1) @ nn_W2 + nn_b2
    # GraphNorm
    ones = jnp.ones((N, 1), dtype=h.dtype)
    counts = jax.ops.segment_sum(ones, batch, num_segments=B)
    counts = jnp.maximum(counts, 1.0)
    mean = jax.ops.segment_sum(h, batch, num_segments=B) / counts
    out = h - mean[batch] * gn_mean_scale
    var = jax.ops.segment_sum(out * out, batch, num_segments=B) / counts
    out = out / jnp.sqrt(var[batch] + 1e-5) * gn_weight + gn_bias
    # FiLM
    gamma = target_embeddings @ film_gamma_W + film_gamma_b + 1.0
    beta = target_embeddings @ film_beta_W + film_beta_b
    out = gamma[batch] * out + beta[batch]
    out = jax.nn.silu(out)
    # dropout is identity in eval mode
    return x + out

if __name__ == "__main__":
    import jax
    _d = setup_inputs()
    print(jax.jit(kernel)(*tuple(_d.values())))

</pallas_src>

<mosaic_0001>
#map = affine_map<(d0, d1) -> (0, 0)>
#map1 = affine_map<(d0, d1) -> (0)>
#map2 = affine_map<(d0, d1) -> (0, 0, 0)>
module attributes {stable_mosaic.version = 14 : i64} {
  func.func @sc_edge(%arg0: i32, %arg1: i32, %arg2: memref<10000x128xf32, #tpu.memory_space<hbm>>, %arg3: memref<320000xi32, #tpu.memory_space<hbm>>, %arg4: memref<320000xi32, #tpu.memory_space<hbm>>, %arg5: memref<320000x64xi32, #tpu.memory_space<hbm>>, %arg6: memref<2x10000x128xf32, #tpu.memory_space<hbm>>, %arg7: memref<10000x128xf32, #tpu.memory_space<vmem_shared>>, %arg8: memref<80xi32, #tpu.memory_space<vmem>>, %arg9: memref<80xi32, #tpu.memory_space<vmem>>, %arg10: memref<80xi32, #tpu.memory_space<vmem>>, %arg11: memref<80xi32, #tpu.memory_space<vmem>>, %arg12: memref<80x128xf32, #tpu.memory_space<vmem>>, %arg13: memref<80x128xf32, #tpu.memory_space<vmem>>, %arg14: memref<80x64xi32, #tpu.memory_space<vmem>>, %arg15: memref<80x64xi32, #tpu.memory_space<vmem>>, %arg16: memref<!tpu.dma_semaphore, #tpu.memory_space<semaphore_mem>>, %arg17: memref<!tpu.dma_semaphore, #tpu.memory_space<semaphore_mem>>, %arg18: memref<!tpu.dma_semaphore, #tpu.memory_space<semaphore_mem>>, %arg19: memref<!tpu.dma_semaphore, #tpu.memory_space<semaphore_mem>>) attributes {dimension_semantics = [#tpu.dimension_semantics<core_parallel>, #tpu.dimension_semantics<subcore_parallel>], iteration_bounds = array<i64: 2, 16>, scalar_prefetch = 0 : i64, scratch_operands = 13 : i64, tpu.core_type = #tpu.core_type<sc_vector_subcore>, window_params = [{transform_indices = #map}, {transform_indices = #map1}, {transform_indices = #map1}, {transform_indices = #map}, {transform_indices = #map2}]} {
    %mul3A = arith.constant 2 : i32
    %mul3A_0 = arith.muli %arg1, %mul3A : i32
    %add3A = arith.addi %mul3A_0, %arg0 : i32
    %scan3A = arith.constant 0 : i32
    %scan3A_1 = arith.constant 0 : i32
    %scan3A_2 = arith.constant 80 : i32
    %scan3A_3 = arith.addi %scan3A_1, %scan3A_2 : i32
    %scan3A_4 = arith.constant 1 : i32
    scf.for %scan3A_153 = %scan3A_1 to %scan3A_3 step %scan3A_4  : i32 {
      %broadcast_in_dim3A = arith.constant 0.000000e+00 : f32
      %broadcast_in_dim3A_154 = vector.broadcast %broadcast_in_dim3A : f32 to vector<16xf32>
      %swap3A = arith.index_cast %scan3A_153 : i32 to index
      %swap3A_155 = arith.constant 0 : index
      %swap3A_156 = tpu.vector_load %arg12[%swap3A, %swap3A_155] {strides = array<i32>} : memref<80x128xf32, #tpu.memory_space<vmem>>, vector<16xf32>,
      tpu.vector_store %arg12[%swap3A, %swap3A_155], %broadcast_in_dim3A_154 {strides = array<i32>} : memref<80x128xf32, #tpu.memory_space<vmem>>, vector<16xf32>,
      %broadcast_in_dim3A_157 = arith.constant 0.000000e+00 : f32
      %broadcast_in_dim3A_158 = vector.broadcast %broadcast_in_dim3A_157 : f32 to vector<16xf32>
      %swap3A_159 = arith.index_cast %scan3A_153 : i32 to index
      %swap3A_160 = arith.constant 16 : index
      %swap3A_161 = tpu.vector_load %arg12[%swap3A_159, %swap3A_160] {strides = array<i32>} : memref<80x128xf32, #tpu.memory_space<vmem>>, vector<16xf32>,
      tpu.vector_store %arg12[%swap3A_159, %swap3A_160], %broadcast_in_dim3A_158 {strides = array<i32>} : memref<80x128xf32, #tpu.memory_space<vmem>>, vector<16xf32>,
      %broadcast_in_dim3A_162 = arith.constant 0.000000e+00 : f32
      %broadcast_in_dim3A_163 = vector.broadcast %broadcast_in_dim3A_162 : f32 to vector<16xf32>
      %swap3A_164 = arith.index_cast %scan3A_153 : i32 to index
      %swap3A_165 = arith.constant 32 : index
      %swap3A_166 = tpu.vector_load %arg12[%swap3A_164, %swap3A_165] {strides = array<i32>} : memref<80x128xf32, #tpu.memory_space<vmem>>, vector<16xf32>,
      tpu.vector_store %arg12[%swap3A_164, %swap3A_165], %broadcast_in_dim3A_163 {strides = array<i32>} : memref<80x128xf32, #tpu.memory_space<vmem>>, vector<16xf32>,
      %broadcast_in_dim3A_167 = arith.constant 0.000000e+00 : f32
      %broadcast_in_dim3A_168 = vector.broadcast %broadcast_in_dim3A_167 : f32 to vector<16xf32>
      %swap3A_169 = arith.index_cast %scan3A_153 : i32 to index
      %swap3A_170 = arith.constant 48 : index
      %swap3A_171 = tpu.vector_load %arg12[%swap3A_169, %swap3A_170] {strides = array<i32>} : memref<80x128xf32, #tpu.memory_space<vmem>>, vector<16xf32>,
      tpu.vector_store %arg12[%swap3A_169, %swap3A_170], %broadcast_in_dim3A_168 {strides = array<i32>} : memref<80x128xf32, #tpu.memory_space<vmem>>, vector<16xf32>,
      %broadcast_in_dim3A_172 = arith.constant 0.000000e+00 : f32
      %broadcast_in_dim3A_173 = vector.broadcast %broadcast_in_dim3A_172 : f32 to vector<16xf32>
      %swap3A_174 = arith.index_cast %scan3A_153 : i32 to index
      %swap3A_175 = arith.constant 64 : index
      %swap3A_176 = tpu.vector_load %arg12[%swap3A_174, %swap3A_175] {strides = array<i32>} : memref<80x128xf32, #tpu.memory_space<vmem>>, vector<16xf32>,
      tpu.vector_store %arg12[%swap3A_174, %swap3A_175], %broadcast_in_dim3A_173 {strides = array<i32>} : memref<80x128xf32, #tpu.memory_space<vmem>>, vector<16xf32>,
      %broadcast_in_dim3A_177 = arith.constant 0.000000e+00 : f32
      %broadcast_in_dim3A_178 = vector.broadcast %broadcast_in_dim3A_177 : f32 to vector<16xf32>
      %swap3A_179 = arith.index_cast %scan3A_153 : i32 to index
      %swap3A_180 = arith.constant 80 : index
      %swap3A_181 = tpu.vector_load %arg12[%swap3A_179, %swap3A_180] {strides = array<i32>} : memref<80x128xf32, #tpu.memory_space<vmem>>, vector<16xf32>,
      tpu.vector_store %arg12[%swap3A_179, %swap3A_180], %broadcast_in_dim3A_178 {strides = array<i32>} : memref<80x128xf32, #tpu.memory_space<vmem>>, vector<16xf32>,
      %broadcast_in_dim3A_182 = arith.constant 0.000000e+00 : f32
      %broadcast_in_dim3A_183 = vector.broadcast %broadcast_in_dim3A_182 : f32 to vector<16xf32>
      %swap3A_184 = arith.index_cast %scan3A_153 : i32 to index
      %swap3A_185 = arith.constant 96 : index
      %swap3A_186 = tpu.vector_load %arg12[%swap3A_184, %swap3A_185] {strides = array<i32>} : memref<80x128xf32, #tpu.memory_space<vmem>>, vector<16xf32>,
      tpu.vector_store %arg12[%swap3A_184, %swap3A_185], %broadcast_in_dim3A_183 {strides = array<i32>} : memref<80x128xf32, #tpu.memory_space<vmem>>, vector<16xf32>,
      %broadcast_in_dim3A_187 = arith.constant 0.000000e+00 : f32
      %broadcast_in_dim3A_188 = vector.broadcast %broadcast_in_dim3A_187 : f32 to vector<16xf32>
      %swap3A_189 = arith.index_cast %scan3A_153 : i32 to index
      %swap3A_190 = arith.constant 112 : index
      %swap3A_191 = tpu.vector_load %arg12[%swap3A_189, %swap3A_190] {strides = array<i32>} : memref<80x128xf32, #tpu.memory_space<vmem>>, vector<16xf32>,
      tpu.vector_store %arg12[%swap3A_189, %swap3A_190], %broadcast_in_dim3A_188 {strides = array<i32>} : memref<80x128xf32, #tpu.memory_space<vmem>>, vector<16xf32>,
    }
    %scan3A_5 = arith.constant 80 : i32
    %add3A_6 = arith.constant 0 : i32
    %add3A_7 = arith.addi %arg1, %add3A_6 : i32
    %lt3A = arith.constant 125 : i32
    %lt3A_8 = arith.cmpi slt, %add3A_7, %lt3A : i32
    %convert_element_type3A = arith.extui %lt3A_8 : i1 to i32
    %cond3A = arith.constant 0 : i32
    %cond3A_9 = arith.cmpi ne, %convert_element_type3A, %cond3A : i32
    scf.if %cond3A_9 {
      %mul3A_153 = arith.constant 80 : i32
      %mul3A_154 = arith.muli %add3A_7, %mul3A_153 : i32
      "tpu.region"() ({
        %run_scoped3A = tpu.sem_alloc : memref<!tpu.dma_semaphore, #tpu.memory_space<semaphore_mem>>
        %dma_start3A_155 = arith.constant 0 : i32
        %dma_start3A_156 = arith.constant 0 : i32
        %dma_start3A_157 = tpu.memref_slice %arg12[%dma_start3A_155, %dma_start3A_156] : memref<80x128xf32, #tpu.memory_space<vmem>> -> memref<80x128xf32, #tpu.memory_space<vmem>>
        %dma_start3A_158 = arith.constant 0 : i32
        %dma_start3A_159 = tpu.memref_slice %arg7[%mul3A_154, %dma_start3A_158] : memref<10000x128xf32, #tpu.memory_space<vmem_shared>> -> memref<80x128xf32, #tpu.memory_space<vmem_shared>>
        %dma_start3A_160 = arith.constant 0 : i32
        %dma_start3A_161 = tpu.memref_slice %arg7[%mul3A_154, %dma_start3A_160] : memref<10000x128xf32, #tpu.memory_space<vmem_shared>> -> memref<80x128xf32, #tpu.memory_space<vmem_shared>>
        %dma_start3A_162 = arith.constant 0 : i32
        %dma_start3A_163 = arith.constant 0 : i32
        %dma_start3A_164 = tpu.memref_slice %arg12[%dma_start3A_162, %dma_start3A_163] : memref<80x128xf32, #tpu.memory_space<vmem>> -> memref<80x128xf32, #tpu.memory_space<vmem>>
        tpu.enqueue_dma source(%dma_start3A_164 : memref<80x128xf32, #tpu.memory_space<vmem>>) target(%dma_start3A_161 : memref<80x128xf32, #tpu.memory_space<vmem_shared>>) target_semaphore(%run_scoped3A : memref<!tpu.dma_semaphore, #tpu.memory_space<semaphore_mem>>)
        %dma_wait3A = arith.constant 0 : i32
        %dma_wait3A_165 = arith.constant 0 : i32
        %dma_wait3A_166 = tpu.memref_slice %arg12[%dma_wait3A, %dma_wait3A_165] : memref<80x128xf32, #tpu.memory_space<vmem>> -> memref<80x128xf32, #tpu.memory_space<vmem>>
        %dma_wait3A_167 = arith.constant 0 : i32
        %dma_wait3A_168 = tpu.memref_slice %arg7[%mul3A_154, %dma_wait3A_167] : memref<10000x128xf32, #tpu.memory_space<vmem_shared>> -> memref<80x128xf32, #tpu.memory_space<vmem_shared>>
        %dma_wait3A_169 = arith.constant 0 : i32
        %dma_wait3A_170 = tpu.memref_slice %arg7[%mul3A_154, %dma_wait3A_169] : memref<10000x128xf32, #tpu.memory_space<vmem_shared>> -> memref<80x128xf32, #tpu.memory_space<vmem_shared>>
        %dma_wait3A_171 = arith.constant 0 : i32
        %dma_wait3A_172 = arith.constant 0 : i32
        %dma_wait3A_173 = tpu.memref_slice %arg12[%dma_wait3A_171, %dma_wait3A_172] : memref<80x128xf32, #tpu.memory_space<vmem>> -> memref<80x128xf32, #tpu.memory_space<vmem>>
        tpu.wait_dma2 semaphore(%run_scoped3A : memref<!tpu.dma_semaphore, #tpu.memory_space<semaphore_mem>>) src(%dma_wait3A_173 : memref<80x128xf32, #tpu.memory_space<vmem>>) dst(%dma_wait3A_170 : memref<80x128xf32, #tpu.memory_space<vmem_shared>>)
        tpu.yield
      }) : () -> ()
    } else {
    }
    %add3A_10 = arith.constant 16 : i32
    %add3A_11 = arith.addi %arg1, %add3A_10 : i32
    %lt3A_12 = arith.constant 125 : i32
    %lt3A_13 = arith.cmpi slt, %add3A_11, %lt3A_12 : i32
    %convert_element_type3A_14 = arith.extui %lt3A_13 : i1 to i32
    %cond3A_15 = arith.constant 0 : i32
    %cond3A_16 = arith.cmpi ne, %convert_element_type3A_14, %cond3A_15 : i32
    scf.if %cond3A_16 {
      %mul3A_153 = arith.constant 80 : i32
      %mul3A_154 = arith.muli %add3A_11, %mul3A_153 : i32
      "tpu.region"() ({
        %run_scoped3A = tpu.sem_alloc : memref<!tpu.dma_semaphore, #tpu.memory_space<semaphore_mem>>
        %dma_start3A_155 = arith.constant 0 : i32
        %dma_start3A_156 = arith.constant 0 : i32
        %dma_start3A_157 = tpu.memref_slice %arg12[%dma_start3A_155, %dma_start3A_156] : memref<80x128xf32, #tpu.memory_space<vmem>> -> memref<80x128xf32, #tpu.memory_space<vmem>>
        %dma_start3A_158 = arith.constant 0 : i32
        %dma_start3A_159 = tpu.memref_slice %arg7[%mul3A_154, %dma_start3A_158] : memref<10000x128xf32, #tpu.memory_space<vmem_shared>> -> memref<80x128xf32, #tpu.memory_space<vmem_shared>>
        %dma_start3A_160 = arith.constant 0 : i32
        %dma_start3A_161 = tpu.memref_slice %arg7[%mul3A_154, %dma_start3A_160] : memref<10000x128xf32, #tpu.memory_space<vmem_shared>> -> memref<80x128xf32, #tpu.memory_space<vmem_shared>>
        %dma_start3A_162 = arith.constant 0 : i32
        %dma_start3A_163 = arith.constant 0 : i32
        %dma_start3A_164 = tpu.memref_slice %arg12[%dma_start3A_162, %dma_start3A_163] : memref<80x128xf32, #tpu.memory_space<vmem>> -> memref<80x128xf32, #tpu.memory_space<vmem>>
        tpu.enqueue_dma source(%dma_start3A_164 : memref<80x128xf32, #tpu.memory_space<vmem>>) target(%dma_start3A_161 : memref<80x128xf32, #tpu.memory_space<vmem_shared>>) target_semaphore(%run_scoped3A : memref<!tpu.dma_semaphore, #tpu.memory_space<semaphore_mem>>)
        %dma_wait3A = arith.constant 0 : i32
        %dma_wait3A_165 = arith.constant 0 : i32
        %dma_wait3A_166 = tpu.memref_slice %arg12[%dma_wait3A, %dma_wait3A_165] : memref<80x128xf32, #tpu.memory_space<vmem>> -> memref<80x128xf32, #tpu.memory_space<vmem>>
        %dma_wait3A_167 = arith.constant 0 : i32
        %dma_wait3A_168 = tpu.memref_slice %arg7[%mul3A_154, %dma_wait3A_167] : memref<10000x128xf32, #tpu.memory_space<vmem_shared>> -> memref<80x128xf32, #tpu.memory_space<vmem_shared>>
        %dma_wait3A_169 = arith.constant 0 : i32
        %dma_wait3A_170 = tpu.memref_slice %arg7[%mul3A_154, %dma_wait3A_169] : memref<10000x128xf32, #tpu.memory_space<vmem_shared>> -> memref<80x128xf32, #tpu.memory_space<vmem_shared>>
        %dma_wait3A_171 = arith.constant 0 : i32
        %dma_wait3A_172 = arith.constant 0 : i32
        %dma_wait3A_173 = tpu.memref_slice %arg12[%dma_wait3A_171, %dma_wait3A_172] : memref<80x128xf32, #tpu.memory_space<vmem>> -> memref<80x128xf32, #tpu.memory_space<vmem>>
        tpu.wait_dma2 semaphore(%run_scoped3A : memref<!tpu.dma_semaphore, #tpu.memory_space<semaphore_mem>>) src(%dma_wait3A_173 : memref<80x128xf32, #tpu.memory_space<vmem>>) dst(%dma_wait3A_170 : memref<80x128xf32, #tpu.memory_space<vmem_shared>>)
        tpu.yield
      }) : () -> ()
    } else {
    }
    %add3A_17 = arith.constant 32 : i32
    %add3A_18 = arith.addi %arg1, %add3A_17 : i32
    %lt3A_19 = arith.constant 125 : i32
    %lt3A_20 = arith.cmpi slt, %add3A_18, %lt3A_19 : i32
    %convert_element_type3A_21 = arith.extui %lt3A_20 : i1 to i32
    %cond3A_22 = arith.constant 0 : i32
    %cond3A_23 = arith.cmpi ne, %convert_element_type3A_21, %cond3A_22 : i32
    scf.if %cond3A_23 {
      %mul3A_153 = arith.constant 80 : i32
      %mul3A_154 = arith.muli %add3A_18, %mul3A_153 : i32
      "tpu.region"() ({
        %run_scoped3A = tpu.sem_alloc : memref<!tpu.dma_semaphore, #tpu.memory_space<semaphore_mem>>
        %dma_start3A_155 = arith.constant 0 : i32
        %dma_start3A_156 = arith.constant 0 : i32
        %dma_start3A_157 = tpu.memref_slice %arg12[%dma_start3A_155, %dma_start3A_156] : memref<80x128xf32, #tpu.memory_space<vmem>> -> memref<80x128xf32, #tpu.memory_space<vmem>>
        %dma_start3A_158 = arith.constant 0 : i32
        %dma_start3A_159 = tpu.memref_slice %arg7[%mul3A_154, %dma_start3A_158] : memref<10000x128xf32, #tpu.memory_space<vmem_shared>> -> memref<80x128xf32, #tpu.memory_space<vmem_shared>>
        %dma_start3A_160 = arith.constant 0 : i32
        %dma_start3A_161 = tpu.memref_slice %arg7[%mul3A_154, %dma_start3A_160] : memref<10000x128xf32, #tpu.memory_space<vmem_shared>> -> memref<80x128xf32, #tpu.memory_space<vmem_shared>>
        %dma_start3A_162 = arith.constant 0 : i32
        %dma_start3A_163 = arith.constant 0 : i32
        %dma_start3A_164 = tpu.memref_slice %arg12[%dma_start3A_162, %dma_start3A_163] : memref<80x128xf32, #tpu.memory_space<vmem>> -> memref<80x128xf32, #tpu.memory_space<vmem>>
        tpu.enqueue_dma source(%dma_start3A_164 : memref<80x128xf32, #tpu.memory_space<vmem>>) target(%dma_start3A_161 : memref<80x128xf32, #tpu.memory_space<vmem_shared>>) target_semaphore(%run_scoped3A : memref<!tpu.dma_semaphore, #tpu.memory_space<semaphore_mem>>)
        %dma_wait3A = arith.constant 0 : i32
        %dma_wait3A_165 = arith.constant 0 : i32
        %dma_wait3A_166 = tpu.memref_slice %arg12[%dma_wait3A, %dma_wait3A_165] : memref<80x128xf32, #tpu.memory_space<vmem>> -> memref<80x128xf32, #tpu.memory_space<vmem>>
        %dma_wait3A_167 = arith.constant 0 : i32
        %dma_wait3A_168 = tpu.memref_slice %arg7[%mul3A_154, %dma_wait3A_167] : memref<10000x128xf32, #tpu.memory_space<vmem_shared>> -> memref<80x128xf32, #tpu.memory_space<vmem_shared>>
        %dma_wait3A_169 = arith.constant 0 : i32
        %dma_wait3A_170 = tpu.memref_slice %arg7[%mul3A_154, %dma_wait3A_169] : memref<10000x128xf32, #tpu.memory_space<vmem_shared>> -> memref<80x128xf32, #tpu.memory_space<vmem_shared>>
        %dma_wait3A_171 = arith.constant 0 : i32
        %dma_wait3A_172 = arith.constant 0 : i32
        %dma_wait3A_173 = tpu.memref_slice %arg12[%dma_wait3A_171, %dma_wait3A_172] : memref<80x128xf32, #tpu.memory_space<vmem>> -> memref<80x128xf32, #tpu.memory_space<vmem>>
        tpu.wait_dma2 semaphore(%run_scoped3A : memref<!tpu.dma_semaphore, #tpu.memory_space<semaphore_mem>>) src(%dma_wait3A_173 : memref<80x128xf32, #tpu.memory_space<vmem>>) dst(%dma_wait3A_170 : memref<80x128xf32, #tpu.memory_space<vmem_shared>>)
        tpu.yield
      }) : () -> ()
    } else {
    }
    %add3A_24 = arith.constant 48 : i32
    %add3A_25 = arith.addi %arg1, %add3A_24 : i32
    %lt3A_26 = arith.constant 125 : i32
    %lt3A_27 = arith.cmpi slt, %add3A_25, %lt3A_26 : i32
    %convert_element_type3A_28 = arith.extui %lt3A_27 : i1 to i32
    %cond3A_29 = arith.constant 0 : i32
    %cond3A_30 = arith.cmpi ne, %convert_element_type3A_28, %cond3A_29 : i32
    scf.if %cond3A_30 {
      %mul3A_153 = arith.constant 80 : i32
      %mul3A_154 = arith.muli %add3A_25, %mul3A_153 : i32
      "tpu.region"() ({
        %run_scoped3A = tpu.sem_alloc : memref<!tpu.dma_semaphore, #tpu.memory_space<semaphore_mem>>
        %dma_start3A_155 = arith.constant 0 : i32
        %dma_start3A_156 = arith.constant 0 : i32
        %dma_start3A_157 = tpu.memref_slice %arg12[%dma_start3A_155, %dma_start3A_156] : memref<80x128xf32, #tpu.memory_space<vmem>> -> memref<80x128xf32, #tpu.memory_space<vmem>>
        %dma_start3A_158 = arith.constant 0 : i32
        %dma_start3A_159 = tpu.memref_slice %arg7[%mul3A_154, %dma_start3A_158] : memref<10000x128xf32, #tpu.memory_space<vmem_shared>> -> memref<80x128xf32, #tpu.memory_space<vmem_shared>>
        %dma_start3A_160 = arith.constant 0 : i32
        %dma_start3A_161 = tpu.memref_slice %arg7[%mul3A_154, %dma_start3A_160] : memref<10000x128xf32, #tpu.memory_space<vmem_shared>> -> memref<80x128xf32, #tpu.memory_space<vmem_shared>>
        %dma_start3A_162 = arith.constant 0 : i32
        %dma_start3A_163 = arith.constant 0 : i32
        %dma_start3A_164 = tpu.memref_slice %arg12[%dma_start3A_162, %dma_start3A_163] : memref<80x128xf32, #tpu.memory_space<vmem>> -> memref<80x128xf32, #tpu.memory_space<vmem>>
        tpu.enqueue_dma source(%dma_start3A_164 : memref<80x128xf32, #tpu.memory_space<vmem>>) target(%dma_start3A_161 : memref<80x128xf32, #tpu.memory_space<vmem_shared>>) target_semaphore(%run_scoped3A : memref<!tpu.dma_semaphore, #tpu.memory_space<semaphore_mem>>)
        %dma_wait3A = arith.constant 0 : i32
        %dma_wait3A_165 = arith.constant 0 : i32
        %dma_wait3A_166 = tpu.memref_slice %arg12[%dma_wait3A, %dma_wait3A_165] : memref<80x128xf32, #tpu.memory_space<vmem>> -> memref<80x128xf32, #tpu.memory_space<vmem>>
        %dma_wait3A_167 = arith.constant 0 : i32
        %dma_wait3A_168 = tpu.memref_slice %arg7[%mul3A_154, %dma_wait3A_167] : memref<10000x128xf32, #tpu.memory_space<vmem_shared>> -> memref<80x128xf32, #tpu.memory_space<vmem_shared>>
        %dma_wait3A_169 = arith.constant 0 : i32
        %dma_wait3A_170 = tpu.memref_slice %arg7[%mul3A_154, %dma_wait3A_169] : memref<10000x128xf32, #tpu.memory_space<vmem_shared>> -> memref<80x128xf32, #tpu.memory_space<vmem_shared>>
        %dma_wait3A_171 = arith.constant 0 : i32
        %dma_wait3A_172 = arith.constant 0 : i32
        %dma_wait3A_173 = tpu.memref_slice %arg12[%dma_wait3A_171, %dma_wait3A_172] : memref<80x128xf32, #tpu.memory_space<vmem>> -> memref<80x128xf32, #tpu.memory_space<vmem>>
        tpu.wait_dma2 semaphore(%run_scoped3A : memref<!tpu.dma_semaphore, #tpu.memory_space<semaphore_mem>>) src(%dma_wait3A_173 : memref<80x128xf32, #tpu.memory_space<vmem>>) dst(%dma_wait3A_170 : memref<80x128xf32, #tpu.memory_space<vmem_shared>>)
        tpu.yield
      }) : () -> ()
    } else {
    }
    %add3A_31 = arith.constant 64 : i32
    %add3A_32 = arith.addi %arg1, %add3A_31 : i32
    %lt3A_33 = arith.constant 125 : i32
    %lt3A_34 = arith.cmpi slt, %add3A_32, %lt3A_33 : i32
    %convert_element_type3A_35 = arith.extui %lt3A_34 : i1 to i32
    %cond3A_36 = arith.constant 0 : i32
    %cond3A_37 = arith.cmpi ne, %convert_element_type3A_35, %cond3A_36 : i32
    scf.if %cond3A_37 {
      %mul3A_153 = arith.constant 80 : i32
      %mul3A_154 = arith.muli %add3A_32, %mul3A_153 : i32
      "tpu.region"() ({
        %run_scoped3A = tpu.sem_alloc : memref<!tpu.dma_semaphore, #tpu.memory_space<semaphore_mem>>
        %dma_start3A_155 = arith.constant 0 : i32
        %dma_start3A_156 = arith.constant 0 : i32
        %dma_start3A_157 = tpu.memref_slice %arg12[%dma_start3A_155, %dma_start3A_156] : memref<80x128xf32, #tpu.memory_space<vmem>> -> memref<80x128xf32, #tpu.memory_space<vmem>>
        %dma_start3A_158 = arith.constant 0 : i32
        %dma_start3A_159 = tpu.memref_slice %arg7[%mul3A_154, %dma_start3A_158] : memref<10000x128xf32, #tpu.memory_space<vmem_shared>> -> memref<80x128xf32, #tpu.memory_space<vmem_shared>>
        %dma_start3A_160 = arith.constant 0 : i32
        %dma_start3A_161 = tpu.memref_slice %arg7[%mul3A_154, %dma_start3A_160] : memref<10000x128xf32, #tpu.memory_space<vmem_shared>> -> memref<80x128xf32, #tpu.memory_space<vmem_shared>>
        %dma_start3A_162 = arith.constant 0 : i32
        %dma_start3A_163 = arith.constant 0 : i32
        %dma_start3A_164 = tpu.memref_slice %arg12[%dma_start3A_162, %dma_start3A_163] : memref<80x128xf32, #tpu.memory_space<vmem>> -> memref<80x128xf32, #tpu.memory_space<vmem>>
        tpu.enqueue_dma source(%dma_start3A_164 : memref<80x128xf32, #tpu.memory_space<vmem>>) target(%dma_start3A_161 : memref<80x128xf32, #tpu.memory_space<vmem_shared>>) target_semaphore(%run_scoped3A : memref<!tpu.dma_semaphore, #tpu.memory_space<semaphore_mem>>)
        %dma_wait3A = arith.constant 0 : i32
        %dma_wait3A_165 = arith.constant 0 : i32
        %dma_wait3A_166 = tpu.memref_slice %arg12[%dma_wait3A, %dma_wait3A_165] : memref<80x128xf32, #tpu.memory_space<vmem>> -> memref<80x128xf32, #tpu.memory_space<vmem>>
        %dma_wait3A_167 = arith.constant 0 : i32
        %dma_wait3A_168 = tpu.memref_slice %arg7[%mul3A_154, %dma_wait3A_167] : memref<10000x128xf32, #tpu.memory_space<vmem_shared>> -> memref<80x128xf32, #tpu.memory_space<vmem_shared>>
        %dma_wait3A_169 = arith.constant 0 : i32
        %dma_wait3A_170 = tpu.memref_slice %arg7[%mul3A_154, %dma_wait3A_169] : memref<10000x128xf32, #tpu.memory_space<vmem_shared>> -> memref<80x128xf32, #tpu.memory_space<vmem_shared>>
        %dma_wait3A_171 = arith.constant 0 : i32
        %dma_wait3A_172 = arith.constant 0 : i32
        %dma_wait3A_173 = tpu.memref_slice %arg12[%dma_wait3A_171, %dma_wait3A_172] : memref<80x128xf32, #tpu.memory_space<vmem>> -> memref<80x128xf32, #tpu.memory_space<vmem>>
        tpu.wait_dma2 semaphore(%run_scoped3A : memref<!tpu.dma_semaphore, #tpu.memory_space<semaphore_mem>>) src(%dma_wait3A_173 : memref<80x128xf32, #tpu.memory_space<vmem>>) dst(%dma_wait3A_170 : memref<80x128xf32, #tpu.memory_space<vmem_shared>>)
        tpu.yield
      }) : () -> ()
    } else {
    }
    %add3A_38 = arith.constant 80 : i32
    %add3A_39 = arith.addi %arg1, %add3A_38 : i32
    %lt3A_40 = arith.constant 125 : i32
    %lt3A_41 = arith.cmpi slt, %add3A_39, %lt3A_40 : i32
    %convert_element_type3A_42 = arith.extui %lt3A_41 : i1 to i32
    %cond3A_43 = arith.constant 0 : i32
    %cond3A_44 = arith.cmpi ne, %convert_element_type3A_42, %cond3A_43 : i32
    scf.if %cond3A_44 {
      %mul3A_153 = arith.constant 80 : i32
      %mul3A_154 = arith.muli %add3A_39, %mul3A_153 : i32
      "tpu.region"() ({
        %run_scoped3A = tpu.sem_alloc : memref<!tpu.dma_semaphore, #tpu.memory_space<semaphore_mem>>
        %dma_start3A_155 = arith.constant 0 : i32
        %dma_start3A_156 = arith.constant 0 : i32
        %dma_start3A_157 = tpu.memref_slice %arg12[%dma_start3A_155, %dma_start3A_156] : memref<80x128xf32, #tpu.memory_space<vmem>> -> memref<80x128xf32, #tpu.memory_space<vmem>>
        %dma_start3A_158 = arith.constant 0 : i32
        %dma_start3A_159 = tpu.memref_slice %arg7[%mul3A_154, %dma_start3A_158] : memref<10000x128xf32, #tpu.memory_space<vmem_shared>> -> memref<80x128xf32, #tpu.memory_space<vmem_shared>>
        %dma_start3A_160 = arith.constant 0 : i32
        %dma_start3A_161 = tpu.memref_slice %arg7[%mul3A_154, %dma_start3A_160] : memref<10000x128xf32, #tpu.memory_space<vmem_shared>> -> memref<80x128xf32, #tpu.memory_space<vmem_shared>>
        %dma_start3A_162 = arith.constant 0 : i32
        %dma_start3A_163 = arith.constant 0 : i32
        %dma_start3A_164 = tpu.memref_slice %arg12[%dma_start3A_162, %dma_start3A_163] : memref<80x128xf32, #tpu.memory_space<vmem>> -> memref<80x128xf32, #tpu.memory_space<vmem>>
        tpu.enqueue_dma source(%dma_start3A_164 : memref<80x128xf32, #tpu.memory_space<vmem>>) target(%dma_start3A_161 : memref<80x128xf32, #tpu.memory_space<vmem_shared>>) target_semaphore(%run_scoped3A : memref<!tpu.dma_semaphore, #tpu.memory_space<semaphore_mem>>)
        %dma_wait3A = arith.constant 0 : i32
        %dma_wait3A_165 = arith.constant 0 : i32
        %dma_wait3A_166 = tpu.memref_slice %arg12[%dma_wait3A, %dma_wait3A_165] : memref<80x128xf32, #tpu.memory_space<vmem>> -> memref<80x128xf32, #tpu.memory_space<vmem>>
        %dma_wait3A_167 = arith.constant 0 : i32
        %dma_wait3A_168 = tpu.memref_slice %arg7[%mul3A_154, %dma_wait3A_167] : memref<10000x128xf32, #tpu.memory_space<vmem_shared>> -> memref<80x128xf32, #tpu.memory_space<vmem_shared>>
        %dma_wait3A_169 = arith.constant 0 : i32
        %dma_wait3A_170 = tpu.memref_slice %arg7[%mul3A_154, %dma_wait3A_169] : memref<10000x128xf32, #tpu.memory_space<vmem_shared>> -> memref<80x128xf32, #tpu.memory_space<vmem_shared>>
        %dma_wait3A_171 = arith.constant 0 : i32
        %dma_wait3A_172 = arith.constant 0 : i32
        %dma_wait3A_173 = tpu.memref_slice %arg12[%dma_wait3A_171, %dma_wait3A_172] : memref<80x128xf32, #tpu.memory_space<vmem>> -> memref<80x128xf32, #tpu.memory_space<vmem>>
        tpu.wait_dma2 semaphore(%run_scoped3A : memref<!tpu.dma_semaphore, #tpu.memory_space<semaphore_mem>>) src(%dma_wait3A_173 : memref<80x128xf32, #tpu.memory_space<vmem>>) dst(%dma_wait3A_170 : memref<80x128xf32, #tpu.memory_space<vmem_shared>>)
        tpu.yield
      }) : () -> ()
    } else {
    }
    %add3A_45 = arith.constant 96 : i32
    %add3A_46 = arith.addi %arg1, %add3A_45 : i32
    %lt3A_47 = arith.constant 125 : i32
    %lt3A_48 = arith.cmpi slt, %add3A_46, %lt3A_47 : i32
    %convert_element_type3A_49 = arith.extui %lt3A_48 : i1 to i32
    %cond3A_50 = arith.constant 0 : i32
    %cond3A_51 = arith.cmpi ne, %convert_element_type3A_49, %cond3A_50 : i32
    scf.if %cond3A_51 {
      %mul3A_153 = arith.constant 80 : i32
      %mul3A_154 = arith.muli %add3A_46, %mul3A_153 : i32
      "tpu.region"() ({
        %run_scoped3A = tpu.sem_alloc : memref<!tpu.dma_semaphore, #tpu.memory_space<semaphore_mem>>
        %dma_start3A_155 = arith.constant 0 : i32
        %dma_start3A_156 = arith.constant 0 : i32
        %dma_start3A_157 = tpu.memref_slice %arg12[%dma_start3A_155, %dma_start3A_156] : memref<80x128xf32, #tpu.memory_space<vmem>> -> memref<80x128xf32, #tpu.memory_space<vmem>>
        %dma_start3A_158 = arith.constant 0 : i32
        %dma_start3A_159 = tpu.memref_slice %arg7[%mul3A_154, %dma_start3A_158] : memref<10000x128xf32, #tpu.memory_space<vmem_shared>> -> memref<80x128xf32, #tpu.memory_space<vmem_shared>>
        %dma_start3A_160 = arith.constant 0 : i32
        %dma_start3A_161 = tpu.memref_slice %arg7[%mul3A_154, %dma_start3A_160] : memref<10000x128xf32, #tpu.memory_space<vmem_shared>> -> memref<80x128xf32, #tpu.memory_space<vmem_shared>>
        %dma_start3A_162 = arith.constant 0 : i32
        %dma_start3A_163 = arith.constant 0 : i32
        %dma_start3A_164 = tpu.memref_slice %arg12[%dma_start3A_162, %dma_start3A_163] : memref<80x128xf32, #tpu.memory_space<vmem>> -> memref<80x128xf32, #tpu.memory_space<vmem>>
        tpu.enqueue_dma source(%dma_start3A_164 : memref<80x128xf32, #tpu.memory_space<vmem>>) target(%dma_start3A_161 : memref<80x128xf32, #tpu.memory_space<vmem_shared>>) target_semaphore(%run_scoped3A : memref<!tpu.dma_semaphore, #tpu.memory_space<semaphore_mem>>)
        %dma_wait3A = arith.constant 0 : i32
        %dma_wait3A_165 = arith.constant 0 : i32
        %dma_wait3A_166 = tpu.memref_slice %arg12[%dma_wait3A, %dma_wait3A_165] : memref<80x128xf32, #tpu.memory_space<vmem>> -> memref<80x128xf32, #tpu.memory_space<vmem>>
        %dma_wait3A_167 = arith.constant 0 : i32
        %dma_wait3A_168 = tpu.memref_slice %arg7[%mul3A_154, %dma_wait3A_167] : memref<10000x128xf32, #tpu.memory_space<vmem_shared>> -> memref<80x128xf32, #tpu.memory_space<vmem_shared>>
        %dma_wait3A_169 = arith.constant 0 : i32
        %dma_wait3A_170 = tpu.memref_slice %arg7[%mul3A_154, %dma_wait3A_169] : memref<10000x128xf32, #tpu.memory_space<vmem_shared>> -> memref<80x128xf32, #tpu.memory_space<vmem_shared>>
        %dma_wait3A_171 = arith.constant 0 : i32
        %dma_wait3A_172 = arith.constant 0 : i32
        %dma_wait3A_173 = tpu.memref_slice %arg12[%dma_wait3A_171, %dma_wait3A_172] : memref<80x128xf32, #tpu.memory_space<vmem>> -> memref<80x128xf32, #tpu.memory_space<vmem>>
        tpu.wait_dma2 semaphore(%run_scoped3A : memref<!tpu.dma_semaphore, #tpu.memory_space<semaphore_mem>>) src(%dma_wait3A_173 : memref<80x128xf32, #tpu.memory_space<vmem>>) dst(%dma_wait3A_170 : memref<80x128xf32, #tpu.memory_space<vmem_shared>>)
        tpu.yield
      }) : () -> ()
    } else {
    }
    %add3A_52 = arith.constant 112 : i32
    %add3A_53 = arith.addi %arg1, %add3A_52 : i32
    %lt3A_54 = arith.constant 125 : i32
    %lt3A_55 = arith.cmpi slt, %add3A_53, %lt3A_54 : i32
    %convert_element_type3A_56 = arith.extui %lt3A_55 : i1 to i32
    %cond3A_57 = arith.constant 0 : i32
    %cond3A_58 = arith.cmpi ne, %convert_element_type3A_56, %cond3A_57 : i32
    scf.if %cond3A_58 {
      %mul3A_153 = arith.constant 80 : i32
      %mul3A_154 = arith.muli %add3A_53, %mul3A_153 : i32
      "tpu.region"() ({
        %run_scoped3A = tpu.sem_alloc : memref<!tpu.dma_semaphore, #tpu.memory_space<semaphore_mem>>
        %dma_start3A_155 = arith.constant 0 : i32
        %dma_start3A_156 = arith.constant 0 : i32
        %dma_start3A_157 = tpu.memref_slice %arg12[%dma_start3A_155, %dma_start3A_156] : memref<80x128xf32, #tpu.memory_space<vmem>> -> memref<80x128xf32, #tpu.memory_space<vmem>>
        %dma_start3A_158 = arith.constant 0 : i32
        %dma_start3A_159 = tpu.memref_slice %arg7[%mul3A_154, %dma_start3A_158] : memref<10000x128xf32, #tpu.memory_space<vmem_shared>> -> memref<80x128xf32, #tpu.memory_space<vmem_shared>>
        %dma_start3A_160 = arith.constant 0 : i32
        %dma_start3A_161 = tpu.memref_slice %arg7[%mul3A_154, %dma_start3A_160] : memref<10000x128xf32, #tpu.memory_space<vmem_shared>> -> memref<80x128xf32, #tpu.memory_space<vmem_shared>>
        %dma_start3A_162 = arith.constant 0 : i32
        %dma_start3A_163 = arith.constant 0 : i32
        %dma_start3A_164 = tpu.memref_slice %arg12[%dma_start3A_162, %dma_start3A_163] : memref<80x128xf32, #tpu.memory_space<vmem>> -> memref<80x128xf32, #tpu.memory_space<vmem>>
        tpu.enqueue_dma source(%dma_start3A_164 : memref<80x128xf32, #tpu.memory_space<vmem>>) target(%dma_start3A_161 : memref<80x128xf32, #tpu.memory_space<vmem_shared>>) target_semaphore(%run_scoped3A : memref<!tpu.dma_semaphore, #tpu.memory_space<semaphore_mem>>)
        %dma_wait3A = arith.constant 0 : i32
        %dma_wait3A_165 = arith.constant 0 : i32
        %dma_wait3A_166 = tpu.memref_slice %arg12[%dma_wait3A, %dma_wait3A_165] : memref<80x128xf32, #tpu.memory_space<vmem>> -> memref<80x128xf32, #tpu.memory_space<vmem>>
        %dma_wait3A_167 = arith.constant 0 : i32
        %dma_wait3A_168 = tpu.memref_slice %arg7[%mul3A_154, %dma_wait3A_167] : memref<10000x128xf32, #tpu.memory_space<vmem_shared>> -> memref<80x128xf32, #tpu.memory_space<vmem_shared>>
        %dma_wait3A_169 = arith.constant 0 : i32
        %dma_wait3A_170 = tpu.memref_slice %arg7[%mul3A_154, %dma_wait3A_169] : memref<10000x128xf32, #tpu.memory_space<vmem_shared>> -> memref<80x128xf32, #tpu.memory_space<vmem_shared>>
        %dma_wait3A_171 = arith.constant 0 : i32
        %dma_wait3A_172 = arith.constant 0 : i32
        %dma_wait3A_173 = tpu.memref_slice %arg12[%dma_wait3A_171, %dma_wait3A_172] : memref<80x128xf32, #tpu.memory_space<vmem>> -> memref<80x128xf32, #tpu.memory_space<vmem>>
        tpu.wait_dma2 semaphore(%run_scoped3A : memref<!tpu.dma_semaphore, #tpu.memory_space<semaphore_mem>>) src(%dma_wait3A_173 : memref<80x128xf32, #tpu.memory_space<vmem>>) dst(%dma_wait3A_170 : memref<80x128xf32, #tpu.memory_space<vmem_shared>>)
        tpu.yield
      }) : () -> ()
    } else {
    }
    %barrier3A = arith.constant 0 : index
    tpu.barrier barrier_id(%barrier3A)
    %mul3A_59 = arith.constant 125 : i32
    %mul3A_60 = arith.muli %add3A, %mul3A_59 : i32
    %add3A_61 = arith.constant 0 : i32
    %add3A_62 = arith.addi %mul3A_60, %add3A_61 : i32
    %mul3A_63 = arith.constant 80 : i32
    %mul3A_64 = arith.muli %add3A_62, %mul3A_63 : i32
    "tpu.region"() ({
      %run_scoped3A = tpu.sem_alloc : memref<!tpu.dma_semaphore, #tpu.memory_space<semaphore_mem>>
      %dma_start3A_153 = tpu.memref_slice %arg3[%mul3A_64] : memref<320000xi32, #tpu.memory_space<hbm>> -> memref<80xi32, #tpu.memory_space<hbm>>
      %dma_start3A_154 = tpu.memref_slice %arg3[%mul3A_64] : memref<320000xi32, #tpu.memory_space<hbm>> -> memref<80xi32, #tpu.memory_space<hbm>>
      tpu.enqueue_dma source(%dma_start3A_154 : memref<80xi32, #tpu.memory_space<hbm>>) target(%arg8 : memref<80xi32, #tpu.memory_space<vmem>>) target_semaphore(%run_scoped3A : memref<!tpu.dma_semaphore, #tpu.memory_space<semaphore_mem>>)
      %dma_wait3A = tpu.memref_slice %arg3[%mul3A_64] : memref<320000xi32, #tpu.memory_space<hbm>> -> memref<80xi32, #tpu.memory_space<hbm>>
      %dma_wait3A_155 = tpu.memref_slice %arg3[%mul3A_64] : memref<320000xi32, #tpu.memory_space<hbm>> -> memref<80xi32, #tpu.memory_space<hbm>>
      tpu.wait_dma2 semaphore(%run_scoped3A : memref<!tpu.dma_semaphore, #tpu.memory_space<semaphore_mem>>) src(%dma_wait3A_155 : memref<80xi32, #tpu.memory_space<hbm>>) dst(%arg8 : memref<80xi32, #tpu.memory_space<vmem>>)
      tpu.yield
    }) : () -> ()
    %mul3A_65 = arith.constant 80 : i32
    %mul3A_66 = arith.muli %add3A_62, %mul3A_65 : i32
    "tpu.region"() ({
      %run_scoped3A = tpu.sem_alloc : memref<!tpu.dma_semaphore, #tpu.memory_space<semaphore_mem>>
      %dma_start3A_153 = tpu.memref_slice %arg4[%mul3A_66] : memref<320000xi32, #tpu.memory_space<hbm>> -> memref<80xi32, #tpu.memory_space<hbm>>
      %dma_start3A_154 = tpu.memref_slice %arg4[%mul3A_66] : memref<320000xi32, #tpu.memory_space<hbm>> -> memref<80xi32, #tpu.memory_space<hbm>>
      tpu.enqueue_dma source(%dma_start3A_154 : memref<80xi32, #tpu.memory_space<hbm>>) target(%arg10 : memref<80xi32, #tpu.memory_space<vmem>>) target_semaphore(%run_scoped3A : memref<!tpu.dma_semaphore, #tpu.memory_space<semaphore_mem>>)
      %dma_wait3A = tpu.memref_slice %arg4[%mul3A_66] : memref<320000xi32, #tpu.memory_space<hbm>> -> memref<80xi32, #tpu.memory_space<hbm>>
      %dma_wait3A_155 = tpu.memref_slice %arg4[%mul3A_66] : memref<320000xi32, #tpu.memory_space<hbm>> -> memref<80xi32, #tpu.memory_space<hbm>>
      tpu.wait_dma2 semaphore(%run_scoped3A : memref<!tpu.dma_semaphore, #tpu.memory_space<semaphore_mem>>) src(%dma_wait3A_155 : memref<80xi32, #tpu.memory_space<hbm>>) dst(%arg10 : memref<80xi32, #tpu.memory_space<vmem>>)
      tpu.yield
    }) : () -> ()
    %mul3A_67 = arith.constant 80 : i32
    %mul3A_68 = arith.muli %add3A_62, %mul3A_67 : i32
    %dma_start3A = arith.constant 0 : i32
    %dma_start3A_69 = tpu.memref_slice %arg5[%mul3A_68, %dma_start3A] : memref<320000x64xi32, #tpu.memory_space<hbm>> -> memref<80x64xi32, #tpu.memory_space<hbm>>
    %dma_start3A_70 = arith.constant 0 : i32
    %dma_start3A_71 = tpu.memref_slice %arg5[%mul3A_68, %dma_start3A_70] : memref<320000x64xi32, #tpu.memory_space<hbm>> -> memref<80x64xi32, #tpu.memory_space<hbm>>
    tpu.enqueue_dma source(%dma_start3A_71 : memref<80x64xi32, #tpu.memory_space<hbm>>) target(%arg14 : memref<80x64xi32, #tpu.memory_space<vmem>>) target_semaphore(%arg18 : memref<!tpu.dma_semaphore, #tpu.memory_space<semaphore_mem>>)
    %dma_start3A_72 = arith.constant 0 : i32
    %dma_start3A_73 = arith.constant 0 : i32
    %dma_start3A_74 = tpu.memref_slice %arg2[%dma_start3A_72, %dma_start3A_73] : memref<10000x128xf32, #tpu.memory_space<hbm>> -> memref<10000x128xf32, #tpu.memory_space<hbm>>
    tpu.enqueue_indirect_dma source(%dma_start3A_74 : memref<10000x128xf32, #tpu.memory_space<hbm>>) target(%arg12 : memref<80x128xf32, #tpu.memory_space<vmem>>) offsets(%arg8 : memref<80xi32, #tpu.memory_space<vmem>>) semaphore(%arg16 : memref<!tpu.dma_semaphore, #tpu.memory_space<semaphore_mem>>)
    %add3A_75 = arith.constant 1 : i32
    %add3A_76 = arith.addi %mul3A_60, %add3A_75 : i32
    %mul3A_77 = arith.constant 80 : i32
    %mul3A_78 = arith.muli %add3A_76, %mul3A_77 : i32
    "tpu.region"() ({
      %run_scoped3A = tpu.sem_alloc : memref<!tpu.dma_semaphore, #tpu.memory_space<semaphore_mem>>
      %dma_start3A_153 = tpu.memref_slice %arg3[%mul3A_78] : memref<320000xi32, #tpu.memory_space<hbm>> -> memref<80xi32, #tpu.memory_space<hbm>>
      %dma_start3A_154 = tpu.memref_slice %arg3[%mul3A_78] : memref<320000xi32, #tpu.memory_space<hbm>> -> memref<80xi32, #tpu.memory_space<hbm>>
      tpu.enqueue_dma source(%dma_start3A_154 : memref<80xi32, #tpu.memory_space<hbm>>) target(%arg9 : memref<80xi32, #tpu.memory_space<vmem>>) target_semaphore(%run_scoped3A : memref<!tpu.dma_semaphore, #tpu.memory_space<semaphore_mem>>)
      %dma_wait3A = tpu.memref_slice %arg3[%mul3A_78] : memref<320000xi32, #tpu.memory_space<hbm>> -> memref<80xi32, #tpu.memory_space<hbm>>
      %dma_wait3A_155 = tpu.memref_slice %arg3[%mul3A_78] : memref<320000xi32, #tpu.memory_space<hbm>> -> memref<80xi32, #tpu.memory_space<hbm>>
      tpu.wait_dma2 semaphore(%run_scoped3A : memref<!tpu.dma_semaphore, #tpu.memory_space<semaphore_mem>>) src(%dma_wait3A_155 : memref<80xi32, #tpu.memory_space<hbm>>) dst(%arg9 : memref<80xi32, #tpu.memory_space<vmem>>)
      tpu.yield
    }) : () -> ()
    %mul3A_79 = arith.constant 80 : i32
    %mul3A_80 = arith.muli %add3A_76, %mul3A_79 : i32
    "tpu.region"() ({
      %run_scoped3A = tpu.sem_alloc : memref<!tpu.dma_semaphore, #tpu.memory_space<semaphore_mem>>
      %dma_start3A_153 = tpu.memref_slice %arg4[%mul3A_80] : memref<320000xi32, #tpu.memory_space<hbm>> -> memref<80xi32, #tpu.memory_space<hbm>>
      %dma_start3A_154 = tpu.memref_slice %arg4[%mul3A_80] : memref<320000xi32, #tpu.memory_space<hbm>> -> memref<80xi32, #tpu.memory_space<hbm>>
      tpu.enqueue_dma source(%dma_start3A_154 : memref<80xi32, #tpu.memory_space<hbm>>) target(%arg11 : memref<80xi32, #tpu.memory_space<vmem>>) target_semaphore(%run_scoped3A : memref<!tpu.dma_semaphore, #tpu.memory_space<semaphore_mem>>)
      %dma_wait3A = tpu.memref_slice %arg4[%mul3A_80] : memref<320000xi32, #tpu.memory_space<hbm>> -> memref<80xi32, #tpu.memory_space<hbm>>
      %dma_wait3A_155 = tpu.memref_slice %arg4[%mul3A_80] : memref<320000xi32, #tpu.memory_space<hbm>> -> memref<80xi32, #tpu.memory_space<hbm>>
      tpu.wait_dma2 semaphore(%run_scoped3A : memref<!tpu.dma_semaphore, #tpu.memory_space<semaphore_mem>>) src(%dma_wait3A_155 : memref<80xi32, #tpu.memory_space<hbm>>) dst(%arg11 : memref<80xi32, #tpu.memory_space<vmem>>)
      tpu.yield
    }) : () -> ()
    %mul3A_81 = arith.constant 80 : i32
    %mul3A_82 = arith.muli %add3A_76, %mul3A_81 : i32
    %dma_start3A_83 = arith.constant 0 : i32
    %dma_start3A_84 = tpu.memref_slice %arg5[%mul3A_82, %dma_start3A_83] : memref<320000x64xi32, #tpu.memory_space<hbm>> -> memref<80x64xi32, #tpu.memory_space<hbm>>
    %dma_start3A_85 = arith.constant 0 : i32
    %dma_start3A_86 = tpu.memref_slice %arg5[%mul3A_82, %dma_start3A_85] : memref<320000x64xi32, #tpu.memory_space<hbm>> -> memref<80x64xi32, #tpu.memory_space<hbm>>
    tpu.enqueue_dma source(%dma_start3A_86 : memref<80x64xi32, #tpu.memory_space<hbm>>) target(%arg15 : memref<80x64xi32, #tpu.memory_space<vmem>>) target_semaphore(%arg19 : memref<!tpu.dma_semaphore, #tpu.memory_space<semaphore_mem>>)
    %dma_start3A_87 = arith.constant 0 : i32
    %dma_start3A_88 = arith.constant 0 : i32
    %dma_start3A_89 = tpu.memref_slice %arg2[%dma_start3A_87, %dma_start3A_88] : memref<10000x128xf32, #tpu.memory_space<hbm>> -> memref<10000x128xf32, #tpu.memory_space<hbm>>
    tpu.enqueue_indirect_dma source(%dma_start3A_89 : memref<10000x128xf32, #tpu.memory_space<hbm>>) target(%arg13 : memref<80x128xf32, #tpu.memory_space<vmem>>) offsets(%arg9 : memref<80xi32, #tpu.memory_space<vmem>>) semaphore(%arg17 : memref<!tpu.dma_semaphore, #tpu.memory_space<semaphore_mem>>)
    %scan3A_90 = arith.constant 0 : i32
    %scan3A_91 = arith.constant 0 : i32
    %scan3A_92 = arith.constant 63 : i32
    %scan3A_93 = arith.addi %scan3A_91, %scan3A_92 : i32
    %scan3A_94 = arith.constant 1 : i32
    scf.for %scan3A_153 = %scan3A_91 to %scan3A_93 step %scan3A_94  : i32 {
      %mul3A_154 = arith.constant 2 : i32
      %mul3A_155 = arith.muli %scan3A_153, %mul3A_154 : i32
      %add3A_156 = arith.addi %mul3A_60, %mul3A_155 : i32
      %add3A_157 = arith.constant 0 : i32
      %add3A_158 = arith.addi %add3A_156, %add3A_157 : i32
      %add3A_159 = arith.constant 125 : i32
      %add3A_160 = arith.addi %mul3A_60, %add3A_159 : i32
      %lt3A_161 = arith.cmpi slt, %add3A_158, %add3A_160 : i32
      %convert_element_type3A_162 = arith.extui %lt3A_161 : i1 to i32
      %cond3A_163 = arith.constant 0 : i32
      %cond3A_164 = arith.cmpi ne, %convert_element_type3A_162, %cond3A_163 : i32
      scf.if %cond3A_164 {
        %mul3A_176 = arith.constant 80 : i32
        %mul3A_177 = arith.muli %add3A_158, %mul3A_176 : i32
        %dma_wait3A = arith.constant 0 : i32
        %dma_wait3A_178 = tpu.memref_slice %arg5[%mul3A_177, %dma_wait3A] : memref<320000x64xi32, #tpu.memory_space<hbm>> -> memref<80x64xi32, #tpu.memory_space<hbm>>
        %dma_wait3A_179 = arith.constant 0 : i32
        %dma_wait3A_180 = tpu.memref_slice %arg5[%mul3A_177, %dma_wait3A_179] : memref<320000x64xi32, #tpu.memory_space<hbm>> -> memref<80x64xi32, #tpu.memory_space<hbm>>
        tpu.wait_dma2 semaphore(%arg18 : memref<!tpu.dma_semaphore, #tpu.memory_space<semaphore_mem>>) src(%dma_wait3A_180 : memref<80x64xi32, #tpu.memory_space<hbm>>) dst(%arg14 : memref<80x64xi32, #tpu.memory_space<vmem>>)
        %dma_wait3A_181 = arith.constant 0 : i32
        %dma_wait3A_182 = arith.constant 0 : i32
        %dma_wait3A_183 = tpu.memref_slice %arg2[%dma_wait3A_181, %dma_wait3A_182] : memref<10000x128xf32, #tpu.memory_space<hbm>> -> memref<10000x128xf32, #tpu.memory_space<hbm>>
        tpu.wait_indirect_dma semaphore(%arg16 : memref<!tpu.dma_semaphore, #tpu.memory_space<semaphore_mem>>) src(%dma_wait3A_183 : memref<10000x128xf32, #tpu.memory_space<hbm>>) dst(%arg12 : memref<80x128xf32, #tpu.memory_space<vmem>>)
        %scan3A_184 = arith.constant 0 : i32
        %scan3A_185 = arith.constant 0 : i32
        %scan3A_186 = arith.constant 80 : i32
        %scan3A_187 = arith.addi %scan3A_185, %scan3A_186 : i32
        %scan3A_188 = arith.constant 1 : i32
        scf.for %scan3A_198 = %scan3A_185 to %scan3A_187 step %scan3A_188  : i32 {
          %mul3A_199 = arith.constant 1 : i32
          %mul3A_200 = arith.muli %scan3A_198, %mul3A_199 : i32
          %add3A_201 = arith.constant 0 : i32
          %add3A_202 = arith.addi %mul3A_200, %add3A_201 : i32
          %get3A = arith.index_cast %scan3A_198 : i32 to index
          %get3A_203 = arith.constant 0 : index
          %get3A_204 = tpu.vector_load %arg14[%get3A, %get3A_203] {strides = array<i32>} : memref<80x64xi32, #tpu.memory_space<vmem>>, vector<16xi32>,
          %bitcast3A = vector.bitcast %get3A_204 : vector<16xi32> to vector<32xbf16>
          %unpack3A = tpu.unpack_subelements %bitcast3A, 0 {pack_format = #tpu.pack_format<interleaved>} : vector<32xbf16> -> vector<16xf32>
          %unpack3A_205 = tpu.unpack_subelements %bitcast3A, 1 {pack_format = #tpu.pack_format<interleaved>} : vector<32xbf16> -> vector<16xf32>
          %get3A_206 = arith.index_cast %add3A_202 : i32 to index
          %get3A_207 = arith.constant 0 : index
          %get3A_208 = tpu.vector_load %arg12[%get3A_206, %get3A_207] {strides = array<i32>} : memref<80x128xf32, #tpu.memory_space<vmem>>, vector<16xf32>,
          %add3A_209 = arith.addf %get3A_208, %unpack3A : vector<16xf32>
          %max3A = arith.constant 0.000000e+00 : f32
          %max3A_210 = vector.broadcast %max3A : f32 to vector<16xf32>
          %max3A_211 = arith.maximumf %add3A_209, %max3A_210 : vector<16xf32>
          %swap3A = arith.index_cast %add3A_202 : i32 to index
          %swap3A_212 = arith.constant 0 : index
          %swap3A_213 = tpu.vector_load %arg12[%swap3A, %swap3A_212] {strides = array<i32>} : memref<80x128xf32, #tpu.memory_space<vmem>>, vector<16xf32>,
          tpu.vector_store %arg12[%swap3A, %swap3A_212], %max3A_211 {strides = array<i32>} : memref<80x128xf32, #tpu.memory_space<vmem>>, vector<16xf32>,
          %get3A_214 = arith.index_cast %add3A_202 : i32 to index
          %get3A_215 = arith.constant 16 : index
          %get3A_216 = tpu.vector_load %arg12[%get3A_214, %get3A_215] {strides = array<i32>} : memref<80x128xf32, #tpu.memory_space<vmem>>, vector<16xf32>,
          %add3A_217 = arith.addf %get3A_216, %unpack3A_205 : vector<16xf32>
          %max3A_218 = arith.constant 0.000000e+00 : f32
          %max3A_219 = vector.broadcast %max3A_218 : f32 to vector<16xf32>
          %max3A_220 = arith.maximumf %add3A_217, %max3A_219 : vector<16xf32>
          %swap3A_221 = arith.index_cast %add3A_202 : i32 to index
          %swap3A_222 = arith.constant 16 : index
          %swap3A_223 = tpu.vector_load %arg12[%swap3A_221, %swap3A_222] {strides = array<i32>} : memref<80x128xf32, #tpu.memory_space<vmem>>, vector<16xf32>,
          tpu.vector_store %arg12[%swap3A_221, %swap3A_222], %max3A_220 {strides = array<i32>} : memref<80x128xf32, #tpu.memory_space<vmem>>, vector<16xf32>,
          %get3A_224 = arith.index_cast %scan3A_198 : i32 to index
          %get3A_225 = arith.constant 16 : index
          %get3A_226 = tpu.vector_load %arg14[%get3A_224, %get3A_225] {strides = array<i32>} : memref<80x64xi32, #tpu.memory_space<vmem>>, vector<16xi32>,
          %bitcast3A_227 = vector.bitcast %get3A_226 : vector<16xi32> to vector<32xbf16>
          %unpack3A_228 = tpu.unpack_subelements %bitcast3A_227, 0 {pack_format = #tpu.pack_format<interleaved>} : vector<32xbf16> -> vector<16xf32>
          %unpack3A_229 = tpu.unpack_subelements %bitcast3A_227, 1 {pack_format = #tpu.pack_format<interleaved>} : vector<32xbf16> -> vector<16xf32>
          %get3A_230 = arith.index_cast %add3A_202 : i32 to index
          %get3A_231 = arith.constant 32 : index
          %get3A_232 = tpu.vector_load %arg12[%get3A_230, %get3A_231] {strides = array<i32>} : memref<80x128xf32, #tpu.memory_space<vmem>>, vector<16xf32>,
          %add3A_233 = arith.addf %get3A_232, %unpack3A_228 : vector<16xf32>
          %max3A_234 = arith.constant 0.000000e+00 : f32
          %max3A_235 = vector.broadcast %max3A_234 : f32 to vector<16xf32>
          %max3A_236 = arith.maximumf %add3A_233, %max3A_235 : vector<16xf32>
          %swap3A_237 = arith.index_cast %add3A_202 : i32 to index
          %swap3A_238 = arith.constant 32 : index
          %swap3A_239 = tpu.vector_load %arg12[%swap3A_237, %swap3A_238] {strides = array<i32>} : memref<80x128xf32, #tpu.memory_space<vmem>>, vector<16xf32>,
          tpu.vector_store %arg12[%swap3A_237, %swap3A_238], %max3A_236 {strides = array<i32>} : memref<80x128xf32, #tpu.memory_space<vmem>>, vector<16xf32>,
          %get3A_240 = arith.index_cast %add3A_202 : i32 to index
          %get3A_241 = arith.constant 48 : index
          %get3A_242 = tpu.vector_load %arg12[%get3A_240, %get3A_241] {strides = array<i32>} : memref<80x128xf32, #tpu.memory_space<vmem>>, vector<16xf32>,
          %add3A_243 = arith.addf %get3A_242, %unpack3A_229 : vector<16xf32>
          %max3A_244 = arith.constant 0.000000e+00 : f32
          %max3A_245 = vector.broadcast %max3A_244 : f32 to vector<16xf32>
          %max3A_246 = arith.maximumf %add3A_243, %max3A_245 : vector<16xf32>
          %swap3A_247 = arith.index_cast %add3A_202 : i32 to index
          %swap3A_248 = arith.constant 48 : index
          %swap3A_249 = tpu.vector_load %arg12[%swap3A_247, %swap3A_248] {strides = array<i32>} : memref<80x128xf32, #tpu.memory_space<vmem>>, vector<16xf32>,
          tpu.vector_store %arg12[%swap3A_247, %swap3A_248], %max3A_246 {strides = array<i32>} : memref<80x128xf32, #tpu.memory_space<vmem>>, vector<16xf32>,
          %get3A_250 = arith.index_cast %scan3A_198 : i32 to index
          %get3A_251 = arith.constant 32 : index
          %get3A_252 = tpu.vector_load %arg14[%get3A_250, %get3A_251] {strides = array<i32>} : memref<80x64xi32, #tpu.memory_space<vmem>>, vector<16xi32>,
          %bitcast3A_253 = vector.bitcast %get3A_252 : vector<16xi32> to vector<32xbf16>
          %unpack3A_254 = tpu.unpack_subelements %bitcast3A_253, 0 {pack_format = #tpu.pack_format<interleaved>} : vector<32xbf16> -> vector<16xf32>
          %unpack3A_255 = tpu.unpack_subelements %bitcast3A_253, 1 {pack_format = #tpu.pack_format<interleaved>} : vector<32xbf16> -> vector<16xf32>
          %get3A_256 = arith.index_cast %add3A_202 : i32 to index
          %get3A_257 = arith.constant 64 : index
          %get3A_258 = tpu.vector_load %arg12[%get3A_256, %get3A_257] {strides = array<i32>} : memref<80x128xf32, #tpu.memory_space<vmem>>, vector<16xf32>,
          %add3A_259 = arith.addf %get3A_258, %unpack3A_254 : vector<16xf32>
          %max3A_260 = arith.constant 0.000000e+00 : f32
          %max3A_261 = vector.broadcast %max3A_260 : f32 to vector<16xf32>
          %max3A_262 = arith.maximumf %add3A_259, %max3A_261 : vector<16xf32>
          %swap3A_263 = arith.index_cast %add3A_202 : i32 to index
          %swap3A_264 = arith.constant 64 : index
          %swap3A_265 = tpu.vector_load %arg12[%swap3A_263, %swap3A_264] {strides = array<i32>} : memref<80x128xf32, #tpu.memory_space<vmem>>, vector<16xf32>,
          tpu.vector_store %arg12[%swap3A_263, %swap3A_264], %max3A_262 {strides = array<i32>} : memref<80x128xf32, #tpu.memory_space<vmem>>, vector<16xf32>,
          %get3A_266 = arith.index_cast %add3A_202 : i32 to index
          %get3A_267 = arith.constant 80 : index
          %get3A_268 = tpu.vector_load %arg12[%get3A_266, %get3A_267] {strides = array<i32>} : memref<80x128xf32, #tpu.memory_space<vmem>>, vector<16xf32>,
          %add3A_269 = arith.addf %get3A_268, %unpack3A_255 : vector<16xf32>
          %max3A_270 = arith.constant 0.000000e+00 : f32
          %max3A_271 = vector.broadcast %max3A_270 : f32 to vector<16xf32>
          %max3A_272 = arith.maximumf %add3A_269, %max3A_271 : vector<16xf32>
          %swap3A_273 = arith.index_cast %add3A_202 : i32 to index
          %swap3A_274 = arith.constant 80 : index
          %swap3A_275 = tpu.vector_load %arg12[%swap3A_273, %swap3A_274] {strides = array<i32>} : memref<80x128xf32, #tpu.memory_space<vmem>>, vector<16xf32>,
          tpu.vector_store %arg12[%swap3A_273, %swap3A_274], %max3A_272 {strides = array<i32>} : memref<80x128xf32, #tpu.memory_space<vmem>>, vector<16xf32>,
          %get3A_276 = arith.index_cast %scan3A_198 : i32 to index
          %get3A_277 = arith.constant 48 : index
          %get3A_278 = tpu.vector_load %arg14[%get3A_276, %get3A_277] {strides = array<i32>} : memref<80x64xi32, #tpu.memory_space<vmem>>, vector<16xi32>,
          %bitcast3A_279 = vector.bitcast %get3A_278 : vector<16xi32> to vector<32xbf16>
          %unpack3A_280 = tpu.unpack_subelements %bitcast3A_279, 0 {pack_format = #tpu.pack_format<interleaved>} : vector<32xbf16> -> vector<16xf32>
          %unpack3A_281 = tpu.unpack_subelements %bitcast3A_279, 1 {pack_format = #tpu.pack_format<interleaved>} : vector<32xbf16> -> vector<16xf32>
          %get3A_282 = arith.index_cast %add3A_202 : i32 to index
          %get3A_283 = arith.constant 96 : index
          %get3A_284 = tpu.vector_load %arg12[%get3A_282, %get3A_283] {strides = array<i32>} : memref<80x128xf32, #tpu.memory_space<vmem>>, vector<16xf32>,
          %add3A_285 = arith.addf %get3A_284, %unpack3A_280 : vector<16xf32>
          %max3A_286 = arith.constant 0.000000e+00 : f32
          %max3A_287 = vector.broadcast %max3A_286 : f32 to vector<16xf32>
          %max3A_288 = arith.maximumf %add3A_285, %max3A_287 : vector<16xf32>
          %swap3A_289 = arith.index_cast %add3A_202 : i32 to index
          %swap3A_290 = arith.constant 96 : index
          %swap3A_291 = tpu.vector_load %arg12[%swap3A_289, %swap3A_290] {strides = array<i32>} : memref<80x128xf32, #tpu.memory_space<vmem>>, vector<16xf32>,
          tpu.vector_store %arg12[%swap3A_289, %swap3A_290], %max3A_288 {strides = array<i32>} : memref<80x128xf32, #tpu.memory_space<vmem>>, vector<16xf32>,
          %get3A_292 = arith.index_cast %add3A_202 : i32 to index
          %get3A_293 = arith.constant 112 : index
          %get3A_294 = tpu.vector_load %arg12[%get3A_292, %get3A_293] {strides = array<i32>} : memref<80x128xf32, #tpu.memory_space<vmem>>, vector<16xf32>,
          %add3A_295 = arith.addf %get3A_294, %unpack3A_281 : vector<16xf32>
          %max3A_296 = arith.constant 0.000000e+00 : f32
          %max3A_297 = vector.broadcast %max3A_296 : f32 to vector<16xf32>
          %max3A_298 = arith.maximumf %add3A_295, %max3A_297 : vector<16xf32>
          %swap3A_299 = arith.index_cast %add3A_202 : i32 to index
          %swap3A_300 = arith.constant 112 : index
          %swap3A_301 = tpu.vector_load %arg12[%swap3A_299, %swap3A_300] {strides = array<i32>} : memref<80x128xf32, #tpu.memory_space<vmem>>, vector<16xf32>,
          tpu.vector_store %arg12[%swap3A_299, %swap3A_300], %max3A_298 {strides = array<i32>} : memref<80x128xf32, #tpu.memory_space<vmem>>, vector<16xf32>,
        }
        %scan3A_189 = arith.constant 80 : i32
        "tpu.region"() ({
          %run_scoped3A = tpu.sem_alloc : memref<!tpu.dma_semaphore, #tpu.memory_space<semaphore_mem>>
          %dma_start3A_198 = arith.constant 0 : i32
          %dma_start3A_199 = arith.constant 0 : i32
          %dma_start3A_200 = tpu.memref_slice %arg7[%dma_start3A_198, %dma_start3A_199] : memref<10000x128xf32, #tpu.memory_space<vmem_shared>> -> memref<10000x128xf32, #tpu.memory_space<vmem_shared>>
          tpu.enqueue_indirect_dma source(%arg12 : memref<80x128xf32, #tpu.memory_space<vmem>>) target(%dma_start3A_200 : memref<10000x128xf32, #tpu.memory_space<vmem_shared>>) offsets(%arg10 : memref<80xi32, #tpu.memory_space<vmem>>) semaphore(%run_scoped3A : memref<!tpu.dma_semaphore, #tpu.memory_space<semaphore_mem>>) {add = true}
          %dma_wait3A_201 = arith.constant 0 : i32
          %dma_wait3A_202 = arith.constant 0 : i32
          %dma_wait3A_203 = tpu.memref_slice %arg7[%dma_wait3A_201, %dma_wait3A_202] : memref<10000x128xf32, #tpu.memory_space<vmem_shared>> -> memref<10000x128xf32, #tpu.memory_space<vmem_shared>>
          tpu.wait_indirect_dma semaphore(%run_scoped3A : memref<!tpu.dma_semaphore, #tpu.memory_space<semaphore_mem>>) src(%arg12 : memref<80x128xf32, #tpu.memory_space<vmem>>) dst(%dma_wait3A_203 : memref<10000x128xf32, #tpu.memory_space<vmem_shared>>)
          tpu.yield
        }) : () -> ()
        %add3A_190 = arith.constant 2 : i32
        %add3A_191 = arith.addi %add3A_158, %add3A_190 : i32
        %add3A_192 = arith.constant 125 : i32
        %add3A_193 = arith.addi %mul3A_60, %add3A_192 : i32
        %lt3A_194 = arith.cmpi slt, %add3A_191, %add3A_193 : i32
        %convert_element_type3A_195 = arith.extui %lt3A_194 : i1 to i32
        %cond3A_196 = arith.constant 0 : i32
        %cond3A_197 = arith.cmpi ne, %convert_element_type3A_195, %cond3A_196 : i32
        scf.if %cond3A_197 {
          %add3A_198 = arith.constant 2 : i32
          %add3A_199 = arith.addi %add3A_158, %add3A_198 : i32
          %mul3A_200 = arith.constant 80 : i32
          %mul3A_201 = arith.muli %add3A_199, %mul3A_200 : i32
          "tpu.region"() ({
            %run_scoped3A = tpu.sem_alloc : memref<!tpu.dma_semaphore, #tpu.memory_space<semaphore_mem>>
            %dma_start3A_213 = tpu.memref_slice %arg3[%mul3A_201] : memref<320000xi32, #tpu.memory_space<hbm>> -> memref<80xi32, #tpu.memory_space<hbm>>
            %dma_start3A_214 = tpu.memref_slice %arg3[%mul3A_201] : memref<320000xi32, #tpu.memory_space<hbm>> -> memref<80xi32, #tpu.memory_space<hbm>>
            tpu.enqueue_dma source(%dma_start3A_214 : memref<80xi32, #tpu.memory_space<hbm>>) target(%arg8 : memref<80xi32, #tpu.memory_space<vmem>>) target_semaphore(%run_scoped3A : memref<!tpu.dma_semaphore, #tpu.memory_space<semaphore_mem>>)
            %dma_wait3A_215 = tpu.memref_slice %arg3[%mul3A_201] : memref<320000xi32, #tpu.memory_space<hbm>> -> memref<80xi32, #tpu.memory_space<hbm>>
            %dma_wait3A_216 = tpu.memref_slice %arg3[%mul3A_201] : memref<320000xi32, #tpu.memory_space<hbm>> -> memref<80xi32, #tpu.memory_space<hbm>>
            tpu.wait_dma2 semaphore(%run_scoped3A : memref<!tpu.dma_semaphore, #tpu.memory_space<semaphore_mem>>) src(%dma_wait3A_216 : memref<80xi32, #tpu.memory_space<hbm>>) dst(%arg8 : memref<80xi32, #tpu.memory_space<vmem>>)
            tpu.yield
          }) : () -> ()
          %mul3A_202 = arith.constant 80 : i32
          %mul3A_203 = arith.muli %add3A_199, %mul3A_202 : i32
          "tpu.region"() ({
            %run_scoped3A = tpu.sem_alloc : memref<!tpu.dma_semaphore, #tpu.memory_space<semaphore_mem>>
            %dma_start3A_213 = tpu.memref_slice %arg4[%mul3A_203] : memref<320000xi32, #tpu.memory_space<hbm>> -> memref<80xi32, #tpu.memory_space<hbm>>
            %dma_start3A_214 = tpu.memref_slice %arg4[%mul3A_203] : memref<320000xi32, #tpu.memory_space<hbm>> -> memref<80xi32, #tpu.memory_space<hbm>>
            tpu.enqueue_dma source(%dma_start3A_214 : memref<80xi32, #tpu.memory_space<hbm>>) target(%arg10 : memref<80xi32, #tpu.memory_space<vmem>>) target_semaphore(%run_scoped3A : memref<!tpu.dma_semaphore, #tpu.memory_space<semaphore_mem>>)
            %dma_wait3A_215 = tpu.memref_slice %arg4[%mul3A_203] : memref<320000xi32, #tpu.memory_space<hbm>> -> memref<80xi32, #tpu.memory_space<hbm>>
            %dma_wait3A_216 = tpu.memref_slice %arg4[%mul3A_203] : memref<320000xi32, #tpu.memory_space<hbm>> -> memref<80xi32, #tpu.memory_space<hbm>>
            tpu.wait_dma2 semaphore(%run_scoped3A : memref<!tpu.dma_semaphore, #tpu.memory_space<semaphore_mem>>) src(%dma_wait3A_216 : memref<80xi32, #tpu.memory_space<hbm>>) dst(%arg10 : memref<80xi32, #tpu.memory_space<vmem>>)
            tpu.yield
          }) : () -> ()
          %mul3A_204 = arith.constant 80 : i32
          %mul3A_205 = arith.muli %add3A_199, %mul3A_204 : i32
          %dma_start3A_206 = arith.constant 0 : i32
          %dma_start3A_207 = tpu.memref_slice %arg5[%mul3A_205, %dma_start3A_206] : memref<320000x64xi32, #tpu.memory_space<hbm>> -> memref<80x64xi32, #tpu.memory_space<hbm>>
          %dma_start3A_208 = arith.constant 0 : i32
          %dma_start3A_209 = tpu.memref_slice %arg5[%mul3A_205, %dma_start3A_208] : memref<320000x64xi32, #tpu.memory_space<hbm>> -> memref<80x64xi32, #tpu.memory_space<hbm>>
          tpu.enqueue_dma source(%dma_start3A_209 : memref<80x64xi32, #tpu.memory_space<hbm>>) target(%arg14 : memref<80x64xi32, #tpu.memory_space<vmem>>) target_semaphore(%arg18 : memref<!tpu.dma_semaphore, #tpu.memory_space<semaphore_mem>>)
          %dma_start3A_210 = arith.constant 0 : i32
          %dma_start3A_211 = arith.constant 0 : i32
          %dma_start3A_212 = tpu.memref_slice %arg2[%dma_start3A_210, %dma_start3A_211] : memref<10000x128xf32, #tpu.memory_space<hbm>> -> memref<10000x128xf32, #tpu.memory_space<hbm>>
          tpu.enqueue_indirect_dma source(%dma_start3A_212 : memref<10000x128xf32, #tpu.memory_space<hbm>>) target(%arg12 : memref<80x128xf32, #tpu.memory_space<vmem>>) offsets(%arg8 : memref<80xi32, #tpu.memory_space<vmem>>) semaphore(%arg16 : memref<!tpu.dma_semaphore, #tpu.memory_space<semaphore_mem>>)
        } else {
        }
      } else {
      }
      %mul3A_165 = arith.constant 2 : i32
      %mul3A_166 = arith.muli %scan3A_153, %mul3A_165 : i32
      %add3A_167 = arith.addi %mul3A_60, %mul3A_166 : i32
      %add3A_168 = arith.constant 1 : i32
      %add3A_169 = arith.addi %add3A_167, %add3A_168 : i32
      %add3A_170 = arith.constant 125 : i32
      %add3A_171 = arith.addi %mul3A_60, %add3A_170 : i32
      %lt3A_172 = arith.cmpi slt, %add3A_169, %add3A_171 : i32
      %convert_element_type3A_173 = arith.extui %lt3A_172 : i1 to i32
      %cond3A_174 = arith.constant 0 : i32
      %cond3A_175 = arith.cmpi ne, %convert_element_type3A_173, %cond3A_174 : i32
      scf.if %cond3A_175 {
        %mul3A_176 = arith.constant 80 : i32
        %mul3A_177 = arith.muli %add3A_169, %mul3A_176 : i32
        %dma_wait3A = arith.constant 0 : i32
        %dma_wait3A_178 = tpu.memref_slice %arg5[%mul3A_177, %dma_wait3A] : memref<320000x64xi32, #tpu.memory_space<hbm>> -> memref<80x64xi32, #tpu.memory_space<hbm>>
        %dma_wait3A_179 = arith.constant 0 : i32
        %dma_wait3A_180 = tpu.memref_slice %arg5[%mul3A_177, %dma_wait3A_179] : memref<320000x64xi32, #tpu.memory_space<hbm>> -> memref<80x64xi32, #tpu.memory_space<hbm>>
        tpu.wait_dma2 semaphore(%arg19 : memref<!tpu.dma_semaphore, #tpu.memory_space<semaphore_mem>>) src(%dma_wait3A_180 : memref<80x64xi32, #tpu.memory_space<hbm>>) dst(%arg15 : memref<80x64xi32, #tpu.memory_space<vmem>>)
        %dma_wait3A_181 = arith.constant 0 : i32
        %dma_wait3A_182 = arith.constant 0 : i32
        %dma_wait3A_183 = tpu.memref_slice %arg2[%dma_wait3A_181, %dma_wait3A_182] : memref<10000x128xf32, #tpu.memory_space<hbm>> -> memref<10000x128xf32, #tpu.memory_space<hbm>>
        tpu.wait_indirect_dma semaphore(%arg17 : memref<!tpu.dma_semaphore, #tpu.memory_space<semaphore_mem>>) src(%dma_wait3A_183 : memref<10000x128xf32, #tpu.memory_space<hbm>>) dst(%arg13 : memref<80x128xf32, #tpu.memory_space<vmem>>)
        %scan3A_184 = arith.constant 0 : i32
        %scan3A_185 = arith.constant 0 : i32
        %scan3A_186 = arith.constant 80 : i32
        %scan3A_187 = arith.addi %scan3A_185, %scan3A_186 : i32
        %scan3A_188 = arith.constant 1 : i32
        scf.for %scan3A_198 = %scan3A_185 to %scan3A_187 step %scan3A_188  : i32 {
          %mul3A_199 = arith.constant 1 : i32
          %mul3A_200 = arith.muli %scan3A_198, %mul3A_199 : i32
          %add3A_201 = arith.constant 0 : i32
          %add3A_202 = arith.addi %mul3A_200, %add3A_201 : i32
          %get3A = arith.index_cast %scan3A_198 : i32 to index
          %get3A_203 = arith.constant 0 : index
          %get3A_204 = tpu.vector_load %arg15[%get3A, %get3A_203] {strides = array<i32>} : memref<80x64xi32, #tpu.memory_space<vmem>>, vector<16xi32>,
          %bitcast3A = vector.bitcast %get3A_204 : vector<16xi32> to vector<32xbf16>
          %unpack3A = tpu.unpack_subelements %bitcast3A, 0 {pack_format = #tpu.pack_format<interleaved>} : vector<32xbf16> -> vector<16xf32>
          %unpack3A_205 = tpu.unpack_subelements %bitcast3A, 1 {pack_format = #tpu.pack_format<interleaved>} : vector<32xbf16> -> vector<16xf32>
          %get3A_206 = arith.index_cast %add3A_202 : i32 to index
          %get3A_207 = arith.constant 0 : index
          %get3A_208 = tpu.vector_load %arg13[%get3A_206, %get3A_207] {strides = array<i32>} : memref<80x128xf32, #tpu.memory_space<vmem>>, vector<16xf32>,
          %add3A_209 = arith.addf %get3A_208, %unpack3A : vector<16xf32>
          %max3A = arith.constant 0.000000e+00 : f32
          %max3A_210 = vector.broadcast %max3A : f32 to vector<16xf32>
          %max3A_211 = arith.maximumf %add3A_209, %max3A_210 : vector<16xf32>
          %swap3A = arith.index_cast %add3A_202 : i32 to index
          %swap3A_212 = arith.constant 0 : index
          %swap3A_213 = tpu.vector_load %arg13[%swap3A, %swap3A_212] {strides = array<i32>} : memref<80x128xf32, #tpu.memory_space<vmem>>, vector<16xf32>,
          tpu.vector_store %arg13[%swap3A, %swap3A_212], %max3A_211 {strides = array<i32>} : memref<80x128xf32, #tpu.memory_space<vmem>>, vector<16xf32>,
          %get3A_214 = arith.index_cast %add3A_202 : i32 to index
          %get3A_215 = arith.constant 16 : index
          %get3A_216 = tpu.vector_load %arg13[%get3A_214, %get3A_215] {strides = array<i32>} : memref<80x128xf32, #tpu.memory_space<vmem>>, vector<16xf32>,
          %add3A_217 = arith.addf %get3A_216, %unpack3A_205 : vector<16xf32>
          %max3A_218 = arith.constant 0.000000e+00 : f32
          %max3A_219 = vector.broadcast %max3A_218 : f32 to vector<16xf32>
          %max3A_220 = arith.maximumf %add3A_217, %max3A_219 : vector<16xf32>
          %swap3A_221 = arith.index_cast %add3A_202 : i32 to index
          %swap3A_222 = arith.constant 16 : index
          %swap3A_223 = tpu.vector_load %arg13[%swap3A_221, %swap3A_222] {strides = array<i32>} : memref<80x128xf32, #tpu.memory_space<vmem>>, vector<16xf32>,
          tpu.vector_store %arg13[%swap3A_221, %swap3A_222], %max3A_220 {strides = array<i32>} : memref<80x128xf32, #tpu.memory_space<vmem>>, vector<16xf32>,
          %get3A_224 = arith.index_cast %scan3A_198 : i32 to index
          %get3A_225 = arith.constant 16 : index
          %get3A_226 = tpu.vector_load %arg15[%get3A_224, %get3A_225] {strides = array<i32>} : memref<80x64xi32, #tpu.memory_space<vmem>>, vector<16xi32>,
          %bitcast3A_227 = vector.bitcast %get3A_226 : vector<16xi32> to vector<32xbf16>
          %unpack3A_228 = tpu.unpack_subelements %bitcast3A_227, 0 {pack_format = #tpu.pack_format<interleaved>} : vector<32xbf16> -> vector<16xf32>
          %unpack3A_229 = tpu.unpack_subelements %bitcast3A_227, 1 {pack_format = #tpu.pack_format<interleaved>} : vector<32xbf16> -> vector<16xf32>
          %get3A_230 = arith.index_cast %add3A_202 : i32 to index
          %get3A_231 = arith.constant 32 : index
          %get3A_232 = tpu.vector_load %arg13[%get3A_230, %get3A_231] {strides = array<i32>} : memref<80x128xf32, #tpu.memory_space<vmem>>, vector<16xf32>,
          %add3A_233 = arith.addf %get3A_232, %unpack3A_228 : vector<16xf32>
          %max3A_234 = arith.constant 0.000000e+00 : f32
          %max3A_235 = vector.broadcast %max3A_234 : f32 to vector<16xf32>
          %max3A_236 = arith.maximumf %add3A_233, %max3A_235 : vector<16xf32>
          %swap3A_237 = arith.index_cast %add3A_202 : i32 to index
          %swap3A_238 = arith.constant 32 : index
          %swap3A_239 = tpu.vector_load %arg13[%swap3A_237, %swap3A_238] {strides = array<i32>} : memref<80x128xf32, #tpu.memory_space<vmem>>, vector<16xf32>,
          tpu.vector_store %arg13[%swap3A_237, %swap3A_238], %max3A_236 {strides = array<i32>} : memref<80x128xf32, #tpu.memory_space<vmem>>, vector<16xf32>,
          %get3A_240 = arith.index_cast %add3A_202 : i32 to index
          %get3A_241 = arith.constant 48 : index
          %get3A_242 = tpu.vector_load %arg13[%get3A_240, %get3A_241] {strides = array<i32>} : memref<80x128xf32, #tpu.memory_space<vmem>>, vector<16xf32>,
          %add3A_243 = arith.addf %get3A_242, %unpack3A_229 : vector<16xf32>
          %max3A_244 = arith.constant 0.000000e+00 : f32
          %max3A_245 = vector.broadcast %max3A_244 : f32 to vector<16xf32>
          %max3A_246 = arith.maximumf %add3A_243, %max3A_245 : vector<16xf32>
          %swap3A_247 = arith.index_cast %add3A_202 : i32 to index
          %swap3A_248 = arith.constant 48 : index
          %swap3A_249 = tpu.vector_load %arg13[%swap3A_247, %swap3A_248] {strides = array<i32>} : memref<80x128xf32, #tpu.memory_space<vmem>>, vector<16xf32>,
          tpu.vector_store %arg13[%swap3A_247, %swap3A_248], %max3A_246 {strides = array<i32>} : memref<80x128xf32, #tpu.memory_space<vmem>>, vector<16xf32>,
          %get3A_250 = arith.index_cast %scan3A_198 : i32 to index
          %get3A_251 = arith.constant 32 : index
          %get3A_252 = tpu.vector_load %arg15[%get3A_250, %get3A_251] {strides = array<i32>} : memref<80x64xi32, #tpu.memory_space<vmem>>, vector<16xi32>,
          %bitcast3A_253 = vector.bitcast %get3A_252 : vector<16xi32> to vector<32xbf16>
          %unpack3A_254 = tpu.unpack_subelements %bitcast3A_253, 0 {pack_format = #tpu.pack_format<interleaved>} : vector<32xbf16> -> vector<16xf32>
          %unpack3A_255 = tpu.unpack_subelements %bitcast3A_253, 1 {pack_format = #tpu.pack_format<interleaved>} : vector<32xbf16> -> vector<16xf32>
          %get3A_256 = arith.index_cast %add3A_202 : i32 to index
          %get3A_257 = arith.constant 64 : index
          %get3A_258 = tpu.vector_load %arg13[%get3A_256, %get3A_257] {strides = array<i32>} : memref<80x128xf32, #tpu.memory_space<vmem>>, vector<16xf32>,
          %add3A_259 = arith.addf %get3A_258, %unpack3A_254 : vector<16xf32>
          %max3A_260 = arith.constant 0.000000e+00 : f32
          %max3A_261 = vector.broadcast %max3A_260 : f32 to vector<16xf32>
          %max3A_262 = arith.maximumf %add3A_259, %max3A_261 : vector<16xf32>
          %swap3A_263 = arith.index_cast %add3A_202 : i32 to index
          %swap3A_264 = arith.constant 64 : index
          %swap3A_265 = tpu.vector_load %arg13[%swap3A_263, %swap3A_264] {strides = array<i32>} : memref<80x128xf32, #tpu.memory_space<vmem>>, vector<16xf32>,
          tpu.vector_store %arg13[%swap3A_263, %swap3A_264], %max3A_262 {strides = array<i32>} : memref<80x128xf32, #tpu.memory_space<vmem>>, vector<16xf32>,
          %get3A_266 = arith.index_cast %add3A_202 : i32 to index
          %get3A_267 = arith.constant 80 : index
          %get3A_268 = tpu.vector_load %arg13[%get3A_266, %get3A_267] {strides = array<i32>} : memref<80x128xf32, #tpu.memory_space<vmem>>, vector<16xf32>,
          %add3A_269 = arith.addf %get3A_268, %unpack3A_255 : vector<16xf32>
          %max3A_270 = arith.constant 0.000000e+00 : f32
          %max3A_271 = vector.broadcast %max3A_270 : f32 to vector<16xf32>
          %max3A_272 = arith.maximumf %add3A_269, %max3A_271 : vector<16xf32>
          %swap3A_273 = arith.index_cast %add3A_202 : i32 to index
          %swap3A_274 = arith.constant 80 : index
          %swap3A_275 = tpu.vector_load %arg13[%swap3A_273, %swap3A_274] {strides = array<i32>} : memref<80x128xf32, #tpu.memory_space<vmem>>, vector<16xf32>,
          tpu.vector_store %arg13[%swap3A_273, %swap3A_274], %max3A_272 {strides = array<i32>} : memref<80x128xf32, #tpu.memory_space<vmem>>, vector<16xf32>,
          %get3A_276 = arith.index_cast %scan3A_198 : i32 to index
          %get3A_277 = arith.constant 48 : index
          %get3A_278 = tpu.vector_load %arg15[%get3A_276, %get3A_277] {strides = array<i32>} : memref<80x64xi32, #tpu.memory_space<vmem>>, vector<16xi32>,
          %bitcast3A_279 = vector.bitcast %get3A_278 : vector<16xi32> to vector<32xbf16>
          %unpack3A_280 = tpu.unpack_subelements %bitcast3A_279, 0 {pack_format = #tpu.pack_format<interleaved>} : vector<32xbf16> -> vector<16xf32>
          %unpack3A_281 = tpu.unpack_subelements %bitcast3A_279, 1 {pack_format = #tpu.pack_format<interleaved>} : vector<32xbf16> -> vector<16xf32>
          %get3A_282 = arith.index_cast %add3A_202 : i32 to index
          %get3A_283 = arith.constant 96 : index
          %get3A_284 = tpu.vector_load %arg13[%get3A_282, %get3A_283] {strides = array<i32>} : memref<80x128xf32, #tpu.memory_space<vmem>>, vector<16xf32>,
          %add3A_285 = arith.addf %get3A_284, %unpack3A_280 : vector<16xf32>
          %max3A_286 = arith.constant 0.000000e+00 : f32
          %max3A_287 = vector.broadcast %max3A_286 : f32 to vector<16xf32>
          %max3A_288 = arith.maximumf %add3A_285, %max3A_287 : vector<16xf32>
          %swap3A_289 = arith.index_cast %add3A_202 : i32 to index
          %swap3A_290 = arith.constant 96 : index
          %swap3A_291 = tpu.vector_load %arg13[%swap3A_289, %swap3A_290] {strides = array<i32>} : memref<80x128xf32, #tpu.memory_space<vmem>>, vector<16xf32>,
          tpu.vector_store %arg13[%swap3A_289, %swap3A_290], %max3A_288 {strides = array<i32>} : memref<80x128xf32, #tpu.memory_space<vmem>>, vector<16xf32>,
          %get3A_292 = arith.index_cast %add3A_202 : i32 to index
          %get3A_293 = arith.constant 112 : index
          %get3A_294 = tpu.vector_load %arg13[%get3A_292, %get3A_293] {strides = array<i32>} : memref<80x128xf32, #tpu.memory_space<vmem>>, vector<16xf32>,
          %add3A_295 = arith.addf %get3A_294, %unpack3A_281 : vector<16xf32>
          %max3A_296 = arith.constant 0.000000e+00 : f32
          %max3A_297 = vector.broadcast %max3A_296 : f32 to vector<16xf32>
          %max3A_298 = arith.maximumf %add3A_295, %max3A_297 : vector<16xf32>
          %swap3A_299 = arith.index_cast %add3A_202 : i32 to index
          %swap3A_300 = arith.constant 112 : index
          %swap3A_301 = tpu.vector_load %arg13[%swap3A_299, %swap3A_300] {strides = array<i32>} : memref<80x128xf32, #tpu.memory_space<vmem>>, vector<16xf32>,
          tpu.vector_store %arg13[%swap3A_299, %swap3A_300], %max3A_298 {strides = array<i32>} : memref<80x128xf32, #tpu.memory_space<vmem>>, vector<16xf32>,
        }
        %scan3A_189 = arith.constant 80 : i32
        "tpu.region"() ({
          %run_scoped3A = tpu.sem_alloc : memref<!tpu.dma_semaphore, #tpu.memory_space<semaphore_mem>>
          %dma_start3A_198 = arith.constant 0 : i32
          %dma_start3A_199 = arith.constant 0 : i32
          %dma_start3A_200 = tpu.memref_slice %arg7[%dma_start3A_198, %dma_start3A_199] : memref<10000x128xf32, #tpu.memory_space<vmem_shared>> -> memref<10000x128xf32, #tpu.memory_space<vmem_shared>>
          tpu.enqueue_indirect_dma source(%arg13 : memref<80x128xf32, #tpu.memory_space<vmem>>) target(%dma_start3A_200 : memref<10000x128xf32, #tpu.memory_space<vmem_shared>>) offsets(%arg11 : memref<80xi32, #tpu.memory_space<vmem>>) semaphore(%run_scoped3A : memref<!tpu.dma_semaphore, #tpu.memory_space<semaphore_mem>>) {add = true}
          %dma_wait3A_201 = arith.constant 0 : i32
          %dma_wait3A_202 = arith.constant 0 : i32
          %dma_wait3A_203 = tpu.memref_slice %arg7[%dma_wait3A_201, %dma_wait3A_202] : memref<10000x128xf32, #tpu.memory_space<vmem_shared>> -> memref<10000x128xf32, #tpu.memory_space<vmem_shared>>
          tpu.wait_indirect_dma semaphore(%run_scoped3A : memref<!tpu.dma_semaphore, #tpu.memory_space<semaphore_mem>>) src(%arg13 : memref<80x128xf32, #tpu.memory_space<vmem>>) dst(%dma_wait3A_203 : memref<10000x128xf32, #tpu.memory_space<vmem_shared>>)
          tpu.yield
        }) : () -> ()
        %add3A_190 = arith.constant 2 : i32
        %add3A_191 = arith.addi %add3A_169, %add3A_190 : i32
        %add3A_192 = arith.constant 125 : i32
        %add3A_193 = arith.addi %mul3A_60, %add3A_192 : i32
        %lt3A_194 = arith.cmpi slt, %add3A_191, %add3A_193 : i32
        %convert_element_type3A_195 = arith.extui %lt3A_194 : i1 to i32
        %cond3A_196 = arith.constant 0 : i32
        %cond3A_197 = arith.cmpi ne, %convert_element_type3A_195, %cond3A_196 : i32
        scf.if %cond3A_197 {
          %add3A_198 = arith.constant 2 : i32
          %add3A_199 = arith.addi %add3A_169, %add3A_198 : i32
          %mul3A_200 = arith.constant 80 : i32
          %mul3A_201 = arith.muli %add3A_199, %mul3A_200 : i32
          "tpu.region"() ({
            %run_scoped3A = tpu.sem_alloc : memref<!tpu.dma_semaphore, #tpu.memory_space<semaphore_mem>>
            %dma_start3A_213 = tpu.memref_slice %arg3[%mul3A_201] : memref<320000xi32, #tpu.memory_space<hbm>> -> memref<80xi32, #tpu.memory_space<hbm>>
            %dma_start3A_214 = tpu.memref_slice %arg3[%mul3A_201] : memref<320000xi32, #tpu.memory_space<hbm>> -> memref<80xi32, #tpu.memory_space<hbm>>
            tpu.enqueue_dma source(%dma_start3A_214 : memref<80xi32, #tpu.memory_space<hbm>>) target(%arg9 : memref<80xi32, #tpu.memory_space<vmem>>) target_semaphore(%run_scoped3A : memref<!tpu.dma_semaphore, #tpu.memory_space<semaphore_mem>>)
            %dma_wait3A_215 = tpu.memref_slice %arg3[%mul3A_201] : memref<320000xi32, #tpu.memory_space<hbm>> -> memref<80xi32, #tpu.memory_space<hbm>>
            %dma_wait3A_216 = tpu.memref_slice %arg3[%mul3A_201] : memref<320000xi32, #tpu.memory_space<hbm>> -> memref<80xi32, #tpu.memory_space<hbm>>
            tpu.wait_dma2 semaphore(%run_scoped3A : memref<!tpu.dma_semaphore, #tpu.memory_space<semaphore_mem>>) src(%dma_wait3A_216 : memref<80xi32, #tpu.memory_space<hbm>>) dst(%arg9 : memref<80xi32, #tpu.memory_space<vmem>>)
            tpu.yield
          }) : () -> ()
          %mul3A_202 = arith.constant 80 : i32
          %mul3A_203 = arith.muli %add3A_199, %mul3A_202 : i32
          "tpu.region"() ({
            %run_scoped3A = tpu.sem_alloc : memref<!tpu.dma_semaphore, #tpu.memory_space<semaphore_mem>>
            %dma_start3A_213 = tpu.memref_slice %arg4[%mul3A_203] : memref<320000xi32, #tpu.memory_space<hbm>> -> memref<80xi32, #tpu.memory_space<hbm>>
            %dma_start3A_214 = tpu.memref_slice %arg4[%mul3A_203] : memref<320000xi32, #tpu.memory_space<hbm>> -> memref<80xi32, #tpu.memory_space<hbm>>
            tpu.enqueue_dma source(%dma_start3A_214 : memref<80xi32, #tpu.memory_space<hbm>>) target(%arg11 : memref<80xi32, #tpu.memory_space<vmem>>) target_semaphore(%run_scoped3A : memref<!tpu.dma_semaphore, #tpu.memory_space<semaphore_mem>>)
            %dma_wait3A_215 = tpu.memref_slice %arg4[%mul3A_203] : memref<320000xi32, #tpu.memory_space<hbm>> -> memref<80xi32, #tpu.memory_space<hbm>>
            %dma_wait3A_216 = tpu.memref_slice %arg4[%mul3A_203] : memref<320000xi32, #tpu.memory_space<hbm>> -> memref<80xi32, #tpu.memory_space<hbm>>
            tpu.wait_dma2 semaphore(%run_scoped3A : memref<!tpu.dma_semaphore, #tpu.memory_space<semaphore_mem>>) src(%dma_wait3A_216 : memref<80xi32, #tpu.memory_space<hbm>>) dst(%arg11 : memref<80xi32, #tpu.memory_space<vmem>>)
            tpu.yield
          }) : () -> ()
          %mul3A_204 = arith.constant 80 : i32
          %mul3A_205 = arith.muli %add3A_199, %mul3A_204 : i32
          %dma_start3A_206 = arith.constant 0 : i32
          %dma_start3A_207 = tpu.memref_slice %arg5[%mul3A_205, %dma_start3A_206] : memref<320000x64xi32, #tpu.memory_space<hbm>> -> memref<80x64xi32, #tpu.memory_space<hbm>>
          %dma_start3A_208 = arith.constant 0 : i32
          %dma_start3A_209 = tpu.memref_slice %arg5[%mul3A_205, %dma_start3A_208] : memref<320000x64xi32, #tpu.memory_space<hbm>> -> memref<80x64xi32, #tpu.memory_space<hbm>>
          tpu.enqueue_dma source(%dma_start3A_209 : memref<80x64xi32, #tpu.memory_space<hbm>>) target(%arg15 : memref<80x64xi32, #tpu.memory_space<vmem>>) target_semaphore(%arg19 : memref<!tpu.dma_semaphore, #tpu.memory_space<semaphore_mem>>)
          %dma_start3A_210 = arith.constant 0 : i32
          %dma_start3A_211 = arith.constant 0 : i32
          %dma_start3A_212 = tpu.memref_slice %arg2[%dma_start3A_210, %dma_start3A_211] : memref<10000x128xf32, #tpu.memory_space<hbm>> -> memref<10000x128xf32, #tpu.memory_space<hbm>>
          tpu.enqueue_indirect_dma source(%dma_start3A_212 : memref<10000x128xf32, #tpu.memory_space<hbm>>) target(%arg13 : memref<80x128xf32, #tpu.memory_space<vmem>>) offsets(%arg9 : memref<80xi32, #tpu.memory_space<vmem>>) semaphore(%arg17 : memref<!tpu.dma_semaphore, #tpu.memory_space<semaphore_mem>>)
        } else {
        }
      } else {
      }
    }
    %scan3A_95 = arith.constant 63 : i32
    %barrier3A_96 = arith.constant 0 : index
    tpu.barrier barrier_id(%barrier3A_96)
    %add3A_97 = arith.constant 0 : i32
    %add3A_98 = arith.addi %arg1, %add3A_97 : i32
    %lt3A_99 = arith.constant 125 : i32
    %lt3A_100 = arith.cmpi slt, %add3A_98, %lt3A_99 : i32
    %convert_element_type3A_101 = arith.extui %lt3A_100 : i1 to i32
    %cond3A_102 = arith.constant 0 : i32
    %cond3A_103 = arith.cmpi ne, %convert_element_type3A_101, %cond3A_102 : i32
    scf.if %cond3A_103 {
      %mul3A_153 = arith.constant 80 : i32
      %mul3A_154 = arith.muli %add3A_98, %mul3A_153 : i32
      "tpu.region"() ({
        %run_scoped3A = tpu.sem_alloc : memref<!tpu.dma_semaphore, #tpu.memory_space<semaphore_mem>>
        %dma_start3A_155 = arith.constant 0 : i32
        %dma_start3A_156 = tpu.memref_slice %arg6[%arg0, %mul3A_154, %dma_start3A_155] : memref<2x10000x128xf32, #tpu.memory_space<hbm>> -> memref<1x80x128xf32, #tpu.memory_space<hbm>>
        %dma_start3A_157 = tpu.memref_squeeze %dma_start3A_156 : memref<1x80x128xf32, #tpu.memory_space<hbm>> -> memref<80x128xf32, #tpu.memory_space<hbm>>
        %dma_start3A_158 = arith.constant 0 : i32
        %dma_start3A_159 = tpu.memref_slice %arg7[%mul3A_154, %dma_start3A_158] : memref<10000x128xf32, #tpu.memory_space<vmem_shared>> -> memref<80x128xf32, #tpu.memory_space<vmem_shared>>
        tpu.enqueue_dma source(%dma_start3A_159 : memref<80x128xf32, #tpu.memory_space<vmem_shared>>) target(%dma_start3A_157 : memref<80x128xf32, #tpu.memory_space<hbm>>) target_semaphore(%run_scoped3A : memref<!tpu.dma_semaphore, #tpu.memory_space<semaphore_mem>>)
        %dma_wait3A = arith.constant 0 : i32
        %dma_wait3A_160 = tpu.memref_slice %arg6[%arg0, %mul3A_154, %dma_wait3A] : memref<2x10000x128xf32, #tpu.memory_space<hbm>> -> memref<1x80x128xf32, #tpu.memory_space<hbm>>
        %dma_wait3A_161 = tpu.memref_squeeze %dma_wait3A_160 : memref<1x80x128xf32, #tpu.memory_space<hbm>> -> memref<80x128xf32, #tpu.memory_space<hbm>>
        %dma_wait3A_162 = arith.constant 0 : i32
        %dma_wait3A_163 = tpu.memref_slice %arg7[%mul3A_154, %dma_wait3A_162] : memref<10000x128xf32, #tpu.memory_space<vmem_shared>> -> memref<80x128xf32, #tpu.memory_space<vmem_shared>>
        tpu.wait_dma2 semaphore(%run_scoped3A : memref<!tpu.dma_semaphore, #tpu.memory_space<semaphore_mem>>) src(%dma_wait3A_163 : memref<80x128xf32, #tpu.memory_space<vmem_shared>>) dst(%dma_wait3A_161 : memref<80x128xf32, #tpu.memory_space<hbm>>)
        tpu.yield
      }) : () -> ()
    } else {
    }
    %add3A_104 = arith.constant 16 : i32
    %add3A_105 = arith.addi %arg1, %add3A_104 : i32
    %lt3A_106 = arith.constant 125 : i32
    %lt3A_107 = arith.cmpi slt, %add3A_105, %lt3A_106 : i32
    %convert_element_type3A_108 = arith.extui %lt3A_107 : i1 to i32
    %cond3A_109 = arith.constant 0 : i32
    %cond3A_110 = arith.cmpi ne, %convert_element_type3A_108, %cond3A_109 : i32
    scf.if %cond3A_110 {
      %mul3A_153 = arith.constant 80 : i32
      %mul3A_154 = arith.muli %add3A_105, %mul3A_153 : i32
      "tpu.region"() ({
        %run_scoped3A = tpu.sem_alloc : memref<!tpu.dma_semaphore, #tpu.memory_space<semaphore_mem>>
        %dma_start3A_155 = arith.constant 0 : i32
        %dma_start3A_156 = tpu.memref_slice %arg6[%arg0, %mul3A_154, %dma_start3A_155] : memref<2x10000x128xf32, #tpu.memory_space<hbm>> -> memref<1x80x128xf32, #tpu.memory_space<hbm>>
        %dma_start3A_157 = tpu.memref_squeeze %dma_start3A_156 : memref<1x80x128xf32, #tpu.memory_space<hbm>> -> memref<80x128xf32, #tpu.memory_space<hbm>>
        %dma_start3A_158 = arith.constant 0 : i32
        %dma_start3A_159 = tpu.memref_slice %arg7[%mul3A_154, %dma_start3A_158] : memref<10000x128xf32, #tpu.memory_space<vmem_shared>> -> memref<80x128xf32, #tpu.memory_space<vmem_shared>>
        tpu.enqueue_dma source(%dma_start3A_159 : memref<80x128xf32, #tpu.memory_space<vmem_shared>>) target(%dma_start3A_157 : memref<80x128xf32, #tpu.memory_space<hbm>>) target_semaphore(%run_scoped3A : memref<!tpu.dma_semaphore, #tpu.memory_space<semaphore_mem>>)
        %dma_wait3A = arith.constant 0 : i32
        %dma_wait3A_160 = tpu.memref_slice %arg6[%arg0, %mul3A_154, %dma_wait3A] : memref<2x10000x128xf32, #tpu.memory_space<hbm>> -> memref<1x80x128xf32, #tpu.memory_space<hbm>>
        %dma_wait3A_161 = tpu.memref_squeeze %dma_wait3A_160 : memref<1x80x128xf32, #tpu.memory_space<hbm>> -> memref<80x128xf32, #tpu.memory_space<hbm>>
        %dma_wait3A_162 = arith.constant 0 : i32
        %dma_wait3A_163 = tpu.memref_slice %arg7[%mul3A_154, %dma_wait3A_162] : memref<10000x128xf32, #tpu.memory_space<vmem_shared>> -> memref<80x128xf32, #tpu.memory_space<vmem_shared>>
        tpu.wait_dma2 semaphore(%run_scoped3A : memref<!tpu.dma_semaphore, #tpu.memory_space<semaphore_mem>>) src(%dma_wait3A_163 : memref<80x128xf32, #tpu.memory_space<vmem_shared>>) dst(%dma_wait3A_161 : memref<80x128xf32, #tpu.memory_space<hbm>>)
        tpu.yield
      }) : () -> ()
    } else {
    }
    %add3A_111 = arith.constant 32 : i32
    %add3A_112 = arith.addi %arg1, %add3A_111 : i32
    %lt3A_113 = arith.constant 125 : i32
    %lt3A_114 = arith.cmpi slt, %add3A_112, %lt3A_113 : i32
    %convert_element_type3A_115 = arith.extui %lt3A_114 : i1 to i32
    %cond3A_116 = arith.constant 0 : i32
    %cond3A_117 = arith.cmpi ne, %convert_element_type3A_115, %cond3A_116 : i32
    scf.if %cond3A_117 {
      %mul3A_153 = arith.constant 80 : i32
      %mul3A_154 = arith.muli %add3A_112, %mul3A_153 : i32
      "tpu.region"() ({
        %run_scoped3A = tpu.sem_alloc : memref<!tpu.dma_semaphore, #tpu.memory_space<semaphore_mem>>
        %dma_start3A_155 = arith.constant 0 : i32
        %dma_start3A_156 = tpu.memref_slice %arg6[%arg0, %mul3A_154, %dma_start3A_155] : memref<2x10000x128xf32, #tpu.memory_space<hbm>> -> memref<1x80x128xf32, #tpu.memory_space<hbm>>
        %dma_start3A_157 = tpu.memref_squeeze %dma_start3A_156 : memref<1x80x128xf32, #tpu.memory_space<hbm>> -> memref<80x128xf32, #tpu.memory_space<hbm>>
        %dma_start3A_158 = arith.constant 0 : i32
        %dma_start3A_159 = tpu.memref_slice %arg7[%mul3A_154, %dma_start3A_158] : memref<10000x128xf32, #tpu.memory_space<vmem_shared>> -> memref<80x128xf32, #tpu.memory_space<vmem_shared>>
        tpu.enqueue_dma source(%dma_start3A_159 : memref<80x128xf32, #tpu.memory_space<vmem_shared>>) target(%dma_start3A_157 : memref<80x128xf32, #tpu.memory_space<hbm>>) target_semaphore(%run_scoped3A : memref<!tpu.dma_semaphore, #tpu.memory_space<semaphore_mem>>)
        %dma_wait3A = arith.constant 0 : i32
        %dma_wait3A_160 = tpu.memref_slice %arg6[%arg0, %mul3A_154, %dma_wait3A] : memref<2x10000x128xf32, #tpu.memory_space<hbm>> -> memref<1x80x128xf32, #tpu.memory_space<hbm>>
        %dma_wait3A_161 = tpu.memref_squeeze %dma_wait3A_160 : memref<1x80x128xf32, #tpu.memory_space<hbm>> -> memref<80x128xf32, #tpu.memory_space<hbm>>
        %dma_wait3A_162 = arith.constant 0 : i32
        %dma_wait3A_163 = tpu.memref_slice %arg7[%mul3A_154, %dma_wait3A_162] : memref<10000x128xf32, #tpu.memory_space<vmem_shared>> -> memref<80x128xf32, #tpu.memory_space<vmem_shared>>
        tpu.wait_dma2 semaphore(%run_scoped3A : memref<!tpu.dma_semaphore, #tpu.memory_space<semaphore_mem>>) src(%dma_wait3A_163 : memref<80x128xf32, #tpu.memory_space<vmem_shared>>) dst(%dma_wait3A_161 : memref<80x128xf32, #tpu.memory_space<hbm>>)
        tpu.yield
      }) : () -> ()
    } else {
    }
    %add3A_118 = arith.constant 48 : i32
    %add3A_119 = arith.addi %arg1, %add3A_118 : i32
    %lt3A_120 = arith.constant 125 : i32
    %lt3A_121 = arith.cmpi slt, %add3A_119, %lt3A_120 : i32
    %convert_element_type3A_122 = arith.extui %lt3A_121 : i1 to i32
    %cond3A_123 = arith.constant 0 : i32
    %cond3A_124 = arith.cmpi ne, %convert_element_type3A_122, %cond3A_123 : i32
    scf.if %cond3A_124 {
      %mul3A_153 = arith.constant 80 : i32
      %mul3A_154 = arith.muli %add3A_119, %mul3A_153 : i32
      "tpu.region"() ({
        %run_scoped3A = tpu.sem_alloc : memref<!tpu.dma_semaphore, #tpu.memory_space<semaphore_mem>>
        %dma_start3A_155 = arith.constant 0 : i32
        %dma_start3A_156 = tpu.memref_slice %arg6[%arg0, %mul3A_154, %dma_start3A_155] : memref<2x10000x128xf32, #tpu.memory_space<hbm>> -> memref<1x80x128xf32, #tpu.memory_space<hbm>>
        %dma_start3A_157 = tpu.memref_squeeze %dma_start3A_156 : memref<1x80x128xf32, #tpu.memory_space<hbm>> -> memref<80x128xf32, #tpu.memory_space<hbm>>
        %dma_start3A_158 = arith.constant 0 : i32
        %dma_start3A_159 = tpu.memref_slice %arg7[%mul3A_154, %dma_start3A_158] : memref<10000x128xf32, #tpu.memory_space<vmem_shared>> -> memref<80x128xf32, #tpu.memory_space<vmem_shared>>
        tpu.enqueue_dma source(%dma_start3A_159 : memref<80x128xf32, #tpu.memory_space<vmem_shared>>) target(%dma_start3A_157 : memref<80x128xf32, #tpu.memory_space<hbm>>) target_semaphore(%run_scoped3A : memref<!tpu.dma_semaphore, #tpu.memory_space<semaphore_mem>>)
        %dma_wait3A = arith.constant 0 : i32
        %dma_wait3A_160 = tpu.memref_slice %arg6[%arg0, %mul3A_154, %dma_wait3A] : memref<2x10000x128xf32, #tpu.memory_space<hbm>> -> memref<1x80x128xf32, #tpu.memory_space<hbm>>
        %dma_wait3A_161 = tpu.memref_squeeze %dma_wait3A_160 : memref<1x80x128xf32, #tpu.memory_space<hbm>> -> memref<80x128xf32, #tpu.memory_space<hbm>>
        %dma_wait3A_162 = arith.constant 0 : i32
        %dma_wait3A_163 = tpu.memref_slice %arg7[%mul3A_154, %dma_wait3A_162] : memref<10000x128xf32, #tpu.memory_space<vmem_shared>> -> memref<80x128xf32, #tpu.memory_space<vmem_shared>>
        tpu.wait_dma2 semaphore(%run_scoped3A : memref<!tpu.dma_semaphore, #tpu.memory_space<semaphore_mem>>) src(%dma_wait3A_163 : memref<80x128xf32, #tpu.memory_space<vmem_shared>>) dst(%dma_wait3A_161 : memref<80x128xf32, #tpu.memory_space<hbm>>)
        tpu.yield
      }) : () -> ()
    } else {
    }
    %add3A_125 = arith.constant 64 : i32
    %add3A_126 = arith.addi %arg1, %add3A_125 : i32
    %lt3A_127 = arith.constant 125 : i32
    %lt3A_128 = arith.cmpi slt, %add3A_126, %lt3A_127 : i32
    %convert_element_type3A_129 = arith.extui %lt3A_128 : i1 to i32
    %cond3A_130 = arith.constant 0 : i32
    %cond3A_131 = arith.cmpi ne, %convert_element_type3A_129, %cond3A_130 : i32
    scf.if %cond3A_131 {
      %mul3A_153 = arith.constant 80 : i32
      %mul3A_154 = arith.muli %add3A_126, %mul3A_153 : i32
      "tpu.region"() ({
        %run_scoped3A = tpu.sem_alloc : memref<!tpu.dma_semaphore, #tpu.memory_space<semaphore_mem>>
        %dma_start3A_155 = arith.constant 0 : i32
        %dma_start3A_156 = tpu.memref_slice %arg6[%arg0, %mul3A_154, %dma_start3A_155] : memref<2x10000x128xf32, #tpu.memory_space<hbm>> -> memref<1x80x128xf32, #tpu.memory_space<hbm>>
        %dma_start3A_157 = tpu.memref_squeeze %dma_start3A_156 : memref<1x80x128xf32, #tpu.memory_space<hbm>> -> memref<80x128xf32, #tpu.memory_space<hbm>>
        %dma_start3A_158 = arith.constant 0 : i32
        %dma_start3A_159 = tpu.memref_slice %arg7[%mul3A_154, %dma_start3A_158] : memref<10000x128xf32, #tpu.memory_space<vmem_shared>> -> memref<80x128xf32, #tpu.memory_space<vmem_shared>>
        tpu.enqueue_dma source(%dma_start3A_159 : memref<80x128xf32, #tpu.memory_space<vmem_shared>>) target(%dma_start3A_157 : memref<80x128xf32, #tpu.memory_space<hbm>>) target_semaphore(%run_scoped3A : memref<!tpu.dma_semaphore, #tpu.memory_space<semaphore_mem>>)
        %dma_wait3A = arith.constant 0 : i32
        %dma_wait3A_160 = tpu.memref_slice %arg6[%arg0, %mul3A_154, %dma_wait3A] : memref<2x10000x128xf32, #tpu.memory_space<hbm>> -> memref<1x80x128xf32, #tpu.memory_space<hbm>>
        %dma_wait3A_161 = tpu.memref_squeeze %dma_wait3A_160 : memref<1x80x128xf32, #tpu.memory_space<hbm>> -> memref<80x128xf32, #tpu.memory_space<hbm>>
        %dma_wait3A_162 = arith.constant 0 : i32
        %dma_wait3A_163 = tpu.memref_slice %arg7[%mul3A_154, %dma_wait3A_162] : memref<10000x128xf32, #tpu.memory_space<vmem_shared>> -> memref<80x128xf32, #tpu.memory_space<vmem_shared>>
        tpu.wait_dma2 semaphore(%run_scoped3A : memref<!tpu.dma_semaphore, #tpu.memory_space<semaphore_mem>>) src(%dma_wait3A_163 : memref<80x128xf32, #tpu.memory_space<vmem_shared>>) dst(%dma_wait3A_161 : memref<80x128xf32, #tpu.memory_space<hbm>>)
        tpu.yield
      }) : () -> ()
    } else {
    }
    %add3A_132 = arith.constant 80 : i32
    %add3A_133 = arith.addi %arg1, %add3A_132 : i32
    %lt3A_134 = arith.constant 125 : i32
    %lt3A_135 = arith.cmpi slt, %add3A_133, %lt3A_134 : i32
    %convert_element_type3A_136 = arith.extui %lt3A_135 : i1 to i32
    %cond3A_137 = arith.constant 0 : i32
    %cond3A_138 = arith.cmpi ne, %convert_element_type3A_136, %cond3A_137 : i32
    scf.if %cond3A_138 {
      %mul3A_153 = arith.constant 80 : i32
      %mul3A_154 = arith.muli %add3A_133, %mul3A_153 : i32
      "tpu.region"() ({
        %run_scoped3A = tpu.sem_alloc : memref<!tpu.dma_semaphore, #tpu.memory_space<semaphore_mem>>
        %dma_start3A_155 = arith.constant 0 : i32
        %dma_start3A_156 = tpu.memref_slice %arg6[%arg0, %mul3A_154, %dma_start3A_155] : memref<2x10000x128xf32, #tpu.memory_space<hbm>> -> memref<1x80x128xf32, #tpu.memory_space<hbm>>
        %dma_start3A_157 = tpu.memref_squeeze %dma_start3A_156 : memref<1x80x128xf32, #tpu.memory_space<hbm>> -> memref<80x128xf32, #tpu.memory_space<hbm>>
        %dma_start3A_158 = arith.constant 0 : i32
        %dma_start3A_159 = tpu.memref_slice %arg7[%mul3A_154, %dma_start3A_158] : memref<10000x128xf32, #tpu.memory_space<vmem_shared>> -> memref<80x128xf32, #tpu.memory_space<vmem_shared>>
        tpu.enqueue_dma source(%dma_start3A_159 : memref<80x128xf32, #tpu.memory_space<vmem_shared>>) target(%dma_start3A_157 : memref<80x128xf32, #tpu.memory_space<hbm>>) target_semaphore(%run_scoped3A : memref<!tpu.dma_semaphore, #tpu.memory_space<semaphore_mem>>)
        %dma_wait3A = arith.constant 0 : i32
        %dma_wait3A_160 = tpu.memref_slice %arg6[%arg0, %mul3A_154, %dma_wait3A] : memref<2x10000x128xf32, #tpu.memory_space<hbm>> -> memref<1x80x128xf32, #tpu.memory_space<hbm>>
        %dma_wait3A_161 = tpu.memref_squeeze %dma_wait3A_160 : memref<1x80x128xf32, #tpu.memory_space<hbm>> -> memref<80x128xf32, #tpu.memory_space<hbm>>
        %dma_wait3A_162 = arith.constant 0 : i32
        %dma_wait3A_163 = tpu.memref_slice %arg7[%mul3A_154, %dma_wait3A_162] : memref<10000x128xf32, #tpu.memory_space<vmem_shared>> -> memref<80x128xf32, #tpu.memory_space<vmem_shared>>
        tpu.wait_dma2 semaphore(%run_scoped3A : memref<!tpu.dma_semaphore, #tpu.memory_space<semaphore_mem>>) src(%dma_wait3A_163 : memref<80x128xf32, #tpu.memory_space<vmem_shared>>) dst(%dma_wait3A_161 : memref<80x128xf32, #tpu.memory_space<hbm>>)
        tpu.yield
      }) : () -> ()
    } else {
    }
    %add3A_139 = arith.constant 96 : i32
    %add3A_140 = arith.addi %arg1, %add3A_139 : i32
    %lt3A_141 = arith.constant 125 : i32
    %lt3A_142 = arith.cmpi slt, %add3A_140, %lt3A_141 : i32
    %convert_element_type3A_143 = arith.extui %lt3A_142 : i1 to i32
    %cond3A_144 = arith.constant 0 : i32
    %cond3A_145 = arith.cmpi ne, %convert_element_type3A_143, %cond3A_144 : i32
    scf.if %cond3A_145 {
      %mul3A_153 = arith.constant 80 : i32
      %mul3A_154 = arith.muli %add3A_140, %mul3A_153 : i32
      "tpu.region"() ({
        %run_scoped3A = tpu.sem_alloc : memref<!tpu.dma_semaphore, #tpu.memory_space<semaphore_mem>>
        %dma_start3A_155 = arith.constant 0 : i32
        %dma_start3A_156 = tpu.memref_slice %arg6[%arg0, %mul3A_154, %dma_start3A_155] : memref<2x10000x128xf32, #tpu.memory_space<hbm>> -> memref<1x80x128xf32, #tpu.memory_space<hbm>>
        %dma_start3A_157 = tpu.memref_squeeze %dma_start3A_156 : memref<1x80x128xf32, #tpu.memory_space<hbm>> -> memref<80x128xf32, #tpu.memory_space<hbm>>
        %dma_start3A_158 = arith.constant 0 : i32
        %dma_start3A_159 = tpu.memref_slice %arg7[%mul3A_154, %dma_start3A_158] : memref<10000x128xf32, #tpu.memory_space<vmem_shared>> -> memref<80x128xf32, #tpu.memory_space<vmem_shared>>
        tpu.enqueue_dma source(%dma_start3A_159 : memref<80x128xf32, #tpu.memory_space<vmem_shared>>) target(%dma_start3A_157 : memref<80x128xf32, #tpu.memory_space<hbm>>) target_semaphore(%run_scoped3A : memref<!tpu.dma_semaphore, #tpu.memory_space<semaphore_mem>>)
        %dma_wait3A = arith.constant 0 : i32
        %dma_wait3A_160 = tpu.memref_slice %arg6[%arg0, %mul3A_154, %dma_wait3A] : memref<2x10000x128xf32, #tpu.memory_space<hbm>> -> memref<1x80x128xf32, #tpu.memory_space<hbm>>
        %dma_wait3A_161 = tpu.memref_squeeze %dma_wait3A_160 : memref<1x80x128xf32, #tpu.memory_space<hbm>> -> memref<80x128xf32, #tpu.memory_space<hbm>>
        %dma_wait3A_162 = arith.constant 0 : i32
        %dma_wait3A_163 = tpu.memref_slice %arg7[%mul3A_154, %dma_wait3A_162] : memref<10000x128xf32, #tpu.memory_space<vmem_shared>> -> memref<80x128xf32, #tpu.memory_space<vmem_shared>>
        tpu.wait_dma2 semaphore(%run_scoped3A : memref<!tpu.dma_semaphore, #tpu.memory_space<semaphore_mem>>) src(%dma_wait3A_163 : memref<80x128xf32, #tpu.memory_space<vmem_shared>>) dst(%dma_wait3A_161 : memref<80x128xf32, #tpu.memory_space<hbm>>)
        tpu.yield
      }) : () -> ()
    } else {
    }
    %add3A_146 = arith.constant 112 : i32
    %add3A_147 = arith.addi %arg1, %add3A_146 : i32
    %lt3A_148 = arith.constant 125 : i32
    %lt3A_149 = arith.cmpi slt, %add3A_147, %lt3A_148 : i32
    %convert_element_type3A_150 = arith.extui %lt3A_149 : i1 to i32
    %cond3A_151 = arith.constant 0 : i32
    %cond3A_152 = arith.cmpi ne, %convert_element_type3A_150, %cond3A_151 : i32
    scf.if %cond3A_152 {
      %mul3A_153 = arith.constant 80 : i32
      %mul3A_154 = arith.muli %add3A_147, %mul3A_153 : i32
      "tpu.region"() ({
        %run_scoped3A = tpu.sem_alloc : memref<!tpu.dma_semaphore, #tpu.memory_space<semaphore_mem>>
        %dma_start3A_155 = arith.constant 0 : i32
        %dma_start3A_156 = tpu.memref_slice %arg6[%arg0, %mul3A_154, %dma_start3A_155] : memref<2x10000x128xf32, #tpu.memory_space<hbm>> -> memref<1x80x128xf32, #tpu.memory_space<hbm>>
        %dma_start3A_157 = tpu.memref_squeeze %dma_start3A_156 : memref<1x80x128xf32, #tpu.memory_space<hbm>> -> memref<80x128xf32, #tpu.memory_space<hbm>>
        %dma_start3A_158 = arith.constant 0 : i32
        %dma_start3A_159 = tpu.memref_slice %arg7[%mul3A_154, %dma_start3A_158] : memref<10000x128xf32, #tpu.memory_space<vmem_shared>> -> memref<80x128xf32, #tpu.memory_space<vmem_shared>>
        tpu.enqueue_dma source(%dma_start3A_159 : memref<80x128xf32, #tpu.memory_space<vmem_shared>>) target(%dma_start3A_157 : memref<80x128xf32, #tpu.memory_space<hbm>>) target_semaphore(%run_scoped3A : memref<!tpu.dma_semaphore, #tpu.memory_space<semaphore_mem>>)
        %dma_wait3A = arith.constant 0 : i32
        %dma_wait3A_160 = tpu.memref_slice %arg6[%arg0, %mul3A_154, %dma_wait3A] : memref<2x10000x128xf32, #tpu.memory_space<hbm>> -> memref<1x80x128xf32, #tpu.memory_space<hbm>>
        %dma_wait3A_161 = tpu.memref_squeeze %dma_wait3A_160 : memref<1x80x128xf32, #tpu.memory_space<hbm>> -> memref<80x128xf32, #tpu.memory_space<hbm>>
        %dma_wait3A_162 = arith.constant 0 : i32
        %dma_wait3A_163 = tpu.memref_slice %arg7[%mul3A_154, %dma_wait3A_162] : memref<10000x128xf32, #tpu.memory_space<vmem_shared>> -> memref<80x128xf32, #tpu.memory_space<vmem_shared>>
        tpu.wait_dma2 semaphore(%run_scoped3A : memref<!tpu.dma_semaphore, #tpu.memory_space<semaphore_mem>>) src(%dma_wait3A_163 : memref<80x128xf32, #tpu.memory_space<vmem_shared>>) dst(%dma_wait3A_161 : memref<80x128xf32, #tpu.memory_space<hbm>>)
        tpu.yield
      }) : () -> ()
    } else {
    }
    return
  }
}

module attributes {stable_mosaic.version = 14 : i64} {
  func.func @kern(%arg0: i32, %arg1: memref<400x128xf32, #tpu.memory_space<vmem>>, %arg2: memref<128x512xf32, #tpu.memory_space<vmem>>, %arg3: memref<128x512xf32, #tpu.memory_space<vmem>>, %arg4: memref<1x512xf32, #tpu.memory_space<vmem>>, %arg5: memref<1x512xf32, #tpu.memory_space<vmem>>, %arg6: memref<400x512xi32, #tpu.memory_space<vmem>>) attributes {dimension_semantics = [#tpu.dimension_semantics<arbitrary>], iteration_bounds = array<i64: 100>, scalar_prefetch = 0 : i64, scratch_operands = 0 : i64, tpu.core_type = #tpu.core_type<tc>, window_params = [{transform_indices = @transform_0, window_bounds = array<i64: 400, 128>}, {pipeline_mode = #tpu.pipeline_mode<synchronous>, transform_indices = @transform_1, window_bounds = array<i64: 128, 512>}, {pipeline_mode = #tpu.pipeline_mode<synchronous>, transform_indices = @transform_2, window_bounds = array<i64: 128, 512>}, {pipeline_mode = #tpu.pipeline_mode<synchronous>, transform_indices = @transform_3, window_bounds = array<i64: 1, 512>}, {pipeline_mode = #tpu.pipeline_mode<synchronous>, transform_indices = @transform_4, window_bounds = array<i64: 1, 512>}, {transform_indices = @transform_5, window_bounds = array<i64: 400, 512>}]} {
    %get3A = arith.constant 0 : index
    %get3A_0 = arith.constant 0 : index
    %get3A_1 = vector.load %arg1[%get3A, %get3A_0] : memref<400x128xf32, #tpu.memory_space<vmem>>, vector<400x128xf32>
    %get3A_2 = arith.constant 0 : index
    %get3A_3 = arith.constant 0 : index
    %get3A_4 = vector.load %arg2[%get3A_2, %get3A_3] : memref<128x512xf32, #tpu.memory_space<vmem>>, vector<128x512xf32>
    %dot_general3A = arith.constant dense<0.000000e+00> : vector<400x512xf32>
    %dot_general3A_5 = tpu.matmul %get3A_1, %get3A_4, %dot_general3A {dimension_numbers = #tpu.dot_dimension_numbers<[1], [0], [0], [1], [0, 0, 1, 1], [], []>, transpose_lhs_hint = false} : vector<400x128xf32>, vector<128x512xf32>, vector<400x512xf32> -> vector<400x512xf32>
    %get3A_6 = arith.constant 0 : index
    %get3A_7 = arith.constant 0 : index
    %get3A_8 = vector.load %arg4[%get3A_6, %get3A_7] : memref<1x512xf32, #tpu.memory_space<vmem>>, vector<1x512xf32>
    %add3A = vector.broadcast %get3A_8 : vector<1x512xf32> to vector<400x512xf32>
    %add3A_9 = arith.addf %dot_general3A_5, %add3A : vector<400x512xf32>
    %get3A_10 = arith.constant 0 : index
    %get3A_11 = arith.constant 0 : index
    %get3A_12 = vector.load %arg1[%get3A_10, %get3A_11] : memref<400x128xf32, #tpu.memory_space<vmem>>, vector<400x128xf32>
    %get3A_13 = arith.constant 0 : index
    %get3A_14 = arith.constant 0 : index
    %get3A_15 = vector.load %arg3[%get3A_13, %get3A_14] : memref<128x512xf32, #tpu.memory_space<vmem>>, vector<128x512xf32>
    %dot_general3A_16 = arith.constant dense<0.000000e+00> : vector<400x512xf32>
    %dot_general3A_17 = tpu.matmul %get3A_12, %get3A_15, %dot_general3A_16 {dimension_numbers = #tpu.dot_dimension_numbers<[1], [0], [0], [1], [0, 0, 1, 1], [], []>, transpose_lhs_hint = false} : vector<400x128xf32>, vector<128x512xf32>, vector<400x512xf32> -> vector<400x512xf32>
    %get3A_18 = arith.constant 0 : index
    %get3A_19 = arith.constant 0 : index
    %get3A_20 = vector.load %arg5[%get3A_18, %get3A_19] : memref<1x512xf32, #tpu.memory_space<vmem>>, vector<1x512xf32>
    %add3A_21 = vector.broadcast %get3A_20 : vector<1x512xf32> to vector<400x512xf32>
    %add3A_22 = arith.addf %dot_general3A_17, %add3A_21 : vector<400x512xf32>
    %bitcast_convert_type3A = tpu.bitcast %add3A_9 : vector<400x512xf32> -> vector<400x512xi32>
    %bitcast_convert_type3A_23 = tpu.bitcast %add3A_22 : vector<400x512xf32> -> vector<400x512xi32>
    %add3A_24 = arith.constant 32767 : i32
    %add3A_25 = vector.broadcast %add3A_24 : i32 to vector<400x512xi32>
    %add3A_26 = arith.addi %bitcast_convert_type3A, %add3A_25 : vector<400x512xi32>
    %shift_right_logical3A = arith.constant 16 : i32
    %shift_right_logical3A_27 = vector.broadcast %shift_right_logical3A : i32 to vector<400x512xi32>
    %shift_right_logical3A_28 = arith.shrui %bitcast_convert_type3A, %shift_right_logical3A_27 : vector<400x512xi32>
    %and3A = arith.constant 1 : i32
    %and3A_29 = vector.broadcast %and3A : i32 to vector<400x512xi32>
    %and3A_30 = arith.andi %shift_right_logical3A_28, %and3A_29 : vector<400x512xi32>
    %add3A_31 = arith.addi %add3A_26, %and3A_30 : vector<400x512xi32>
    %shift_right_logical3A_32 = arith.constant 16 : i32
    %shift_right_logical3A_33 = vector.broadcast %shift_right_logical3A_32 : i32 to vector<400x512xi32>
    %shift_right_logical3A_34 = arith.shrui %add3A_31, %shift_right_logical3A_33 : vector<400x512xi32>
    %add3A_35 = arith.constant 32767 : i32
    %add3A_36 = vector.broadcast %add3A_35 : i32 to vector<400x512xi32>
    %add3A_37 = arith.addi %bitcast_convert_type3A_23, %add3A_36 : vector<400x512xi32>
    %shift_right_logical3A_38 = arith.constant 16 : i32
    %shift_right_logical3A_39 = vector.broadcast %shift_right_logical3A_38 : i32 to vector<400x512xi32>
    %shift_right_logical3A_40 = arith.shrui %bitcast_convert_type3A_23, %shift_right_logical3A_39 : vector<400x512xi32>
    %and3A_41 = arith.constant 1 : i32
    %and3A_42 = vector.broadcast %and3A_41 : i32 to vector<400x512xi32>
    %and3A_43 = arith.andi %shift_right_logical3A_40, %and3A_42 : vector<400x512xi32>
    %add3A_44 = arith.addi %add3A_37, %and3A_43 : vector<400x512xi32>
    %and3A_45 = arith.constant -65536 : i32
    %and3A_46 = vector.broadcast %and3A_45 : i32 to vector<400x512xi32>
    %and3A_47 = arith.andi %add3A_44, %and3A_46 : vector<400x512xi32>
    %or3A = arith.ori %shift_right_logical3A_34, %and3A_47 : vector<400x512xi32>
    %swap3A = arith.constant 0 : index
    %swap3A_48 = arith.constant 0 : index
    %swap3A_49 = vector.load %arg6[%swap3A, %swap3A_48] : memref<400x512xi32, #tpu.memory_space<vmem>>, vector<400x512xi32>
    tpu.vector_store %arg6[%swap3A, %swap3A_48], %or3A {strides = array<i32>} : memref<400x512xi32, #tpu.memory_space<vmem>>, vector<400x512xi32>,
    return
  }
  func.func @transform_0(%arg0: i32) -> (i32, i32) {
    %c0_i32 = arith.constant 0 : i32
    %c0_i32_0 = arith.constant 0 : i32
    return %arg0, %c0_i32 : i32, i32
  }
  func.func @transform_1(%arg0: i32) -> (i32, i32) {
    %c0_i32 = arith.constant 0 : i32
    %c0_i32_0 = arith.constant 0 : i32
    %c0_i32_1 = arith.constant 0 : i32
    return %c0_i32, %c0_i32_0 : i32, i32
  }
  func.func @transform_2(%arg0: i32) -> (i32, i32) {
    %c0_i32 = arith.constant 0 : i32
    %c0_i32_0 = arith.constant 0 : i32
    %c0_i32_1 = arith.constant 0 : i32
    return %c0_i32, %c0_i32_0 : i32, i32
  }
  func.func @transform_3(%arg0: i32) -> (i32, i32) {
    %c0_i32 = arith.constant 0 : i32
    %c0_i32_0 = arith.constant 0 : i32
    %c0_i32_1 = arith.constant 0 : i32
    return %c0_i32, %c0_i32_0 : i32, i32
  }
  func.func @transform_4(%arg0: i32) -> (i32, i32) {
    %c0_i32 = arith.constant 0 : i32
    %c0_i32_0 = arith.constant 0 : i32
    %c0_i32_1 = arith.constant 0 : i32
    return %c0_i32, %c0_i32_0 : i32, i32
  }
  func.func @transform_5(%arg0: i32) -> (i32, i32) {
    %c0_i32 = arith.constant 0 : i32
    %c0_i32_0 = arith.constant 0 : i32
    return %arg0, %c0_i32 : i32, i32
  }
}

module attributes {stable_mosaic.version = 14 : i64} {
  func.func @kern(%arg0: i32, %arg1: memref<1000x128xf32, #tpu.memory_space<vmem>>, %arg2: memref<2x1000x128xf32, #tpu.memory_space<vmem>>, %arg3: memref<1x1x1000xi32, #tpu.memory_space<vmem>>, %arg4: memref<128x128xf32, #tpu.memory_space<vmem>>, %arg5: memref<1x128xf32, #tpu.memory_space<vmem>>, %arg6: memref<128x128xf32, #tpu.memory_space<vmem>>, %arg7: memref<1x128xf32, #tpu.memory_space<vmem>>, %arg8: memref<1000x128xf32, #tpu.memory_space<vmem>>, %arg9: memref<64x384xf32, #tpu.memory_space<vmem>>) attributes {dimension_semantics = [#tpu.dimension_semantics<arbitrary>], iteration_bounds = array<i64: 10>, scalar_prefetch = 0 : i64, scratch_operands = 0 : i64, tpu.core_type = #tpu.core_type<tc>, window_params = [{transform_indices = @transform_0, window_bounds = array<i64: 1000, 128>}, {transform_indices = @transform_1, window_bounds = array<i64: 2, 1000, 128>}, {transform_indices = @transform_2, window_bounds = array<i64: 1, 1, 1000>}, {pipeline_mode = #tpu.pipeline_mode<synchronous>, transform_indices = @transform_3, window_bounds = array<i64: 128, 128>}, {pipeline_mode = #tpu.pipeline_mode<synchronous>, transform_indices = @transform_4, window_bounds = array<i64: 1, 128>}, {pipeline_mode = #tpu.pipeline_mode<synchronous>, transform_indices = @transform_5, window_bounds = array<i64: 128, 128>}, {pipeline_mode = #tpu.pipeline_mode<synchronous>, transform_indices = @transform_6, window_bounds = array<i64: 1, 128>}, {transform_indices = @transform_7, window_bounds = array<i64: 1000, 128>}, {pipeline_mode = #tpu.pipeline_mode<synchronous>, transform_indices = @transform_8, window_bounds = array<i64: 64, 384>}]} {
    %get3A = arith.constant 0 : index
    %get3A_0 = arith.constant 0 : index
    %get3A_1 = vector.load %arg1[%get3A, %get3A_0] : memref<1000x128xf32, #tpu.memory_space<vmem>>, vector<1000x128xf32>
    %get3A_2 = arith.constant 0 : index
    %get3A_3 = arith.constant 0 : index
    %get3A_4 = arith.constant 0 : index
    %get3A_5 = vector.load %arg2[%get3A_2, %get3A_3, %get3A_4] : memref<2x1000x128xf32, #tpu.memory_space<vmem>>, vector<1x1000x128xf32>
    %get3A_6 = vector.shape_cast %get3A_5 : vector<1x1000x128xf32> to vector<1000x128xf32>
    %add3A = arith.addf %get3A_1, %get3A_6 : vector<1000x128xf32>
    %get3A_7 = arith.constant 1 : index
    %get3A_8 = arith.constant 0 : index
    %get3A_9 = arith.constant 0 : index
    %get3A_10 = vector.load %arg2[%get3A_7, %get3A_8, %get3A_9] : memref<2x1000x128xf32, #tpu.memory_space<vmem>>, vector<1x1000x128xf32>
    %get3A_11 = vector.shape_cast %get3A_10 : vector<1x1000x128xf32> to vector<1000x128xf32>
    %add3A_12 = arith.addf %add3A, %get3A_11 : vector<1000x128xf32>
    %get3A_13 = arith.constant 0 : index
    %get3A_14 = arith.constant 0 : index
    %get3A_15 = vector.load %arg4[%get3A_13, %get3A_14] : memref<128x128xf32, #tpu.memory_space<vmem>>, vector<128x128xf32>
    %dot_general3A = arith.constant dense<0.000000e+00> : vector<1000x128xf32>
    %dot_general3A_16 = tpu.matmul %add3A_12, %get3A_15, %dot_general3A {dimension_numbers = #tpu.dot_dimension_numbers<[1], [0], [0], [1], [0, 0, 1, 1], [], []>, transpose_lhs_hint = false} : vector<1000x128xf32>, vector<128x128xf32>, vector<1000x128xf32> -> vector<1000x128xf32>
    %get3A_17 = arith.constant 0 : index
    %get3A_18 = arith.constant 0 : index
    %get3A_19 = vector.load %arg5[%get3A_17, %get3A_18] : memref<1x128xf32, #tpu.memory_space<vmem>>, vector<1x128xf32>
    %add3A_20 = vector.broadcast %get3A_19 : vector<1x128xf32> to vector<1000x128xf32>
    %add3A_21 = arith.addf %dot_general3A_16, %add3A_20 : vector<1000x128xf32>
    %logistic3A = arith.negf %add3A_21 : vector<1000x128xf32>
    %logistic3A_22 = math.exp %logistic3A : vector<1000x128xf32>
    %logistic3A_23 = arith.constant 1.000000e+00 : f32
    %logistic3A_24 = vector.broadcast %logistic3A_23 : f32 to vector<1000x128xf32>
    %logistic3A_25 = arith.addf %logistic3A_24, %logistic3A_22 : vector<1000x128xf32>
    %logistic3A_26 = arith.divf %logistic3A_24, %logistic3A_25 : vector<1000x128xf32>
    %mul3A = arith.mulf %add3A_21, %logistic3A_26 : vector<1000x128xf32>
    %get3A_27 = arith.constant 0 : index
    %get3A_28 = arith.constant 0 : index
    %get3A_29 = vector.load %arg6[%get3A_27, %get3A_28] : memref<128x128xf32, #tpu.memory_space<vmem>>, vector<128x128xf32>
    %dot_general3A_30 = arith.constant dense<0.000000e+00> : vector<1000x128xf32>
    %dot_general3A_31 = tpu.matmul %mul3A, %get3A_29, %dot_general3A_30 {dimension_numbers = #tpu.dot_dimension_numbers<[1], [0], [0], [1], [0, 0, 1, 1], [], []>, transpose_lhs_hint = false} : vector<1000x128xf32>, vector<128x128xf32>, vector<1000x128xf32> -> vector<1000x128xf32>
    %get3A_32 = arith.constant 0 : index
    %get3A_33 = arith.constant 0 : index
    %get3A_34 = vector.load %arg7[%get3A_32, %get3A_33] : memref<1x128xf32, #tpu.memory_space<vmem>>, vector<1x128xf32>
    %add3A_35 = vector.broadcast %get3A_34 : vector<1x128xf32> to vector<1000x128xf32>
    %add3A_36 = arith.addf %dot_general3A_31, %add3A_35 : vector<1000x128xf32>
    %swap3A = arith.constant 0 : index
    %swap3A_37 = arith.constant 0 : index
    %swap3A_38 = vector.load %arg8[%swap3A, %swap3A_37] : memref<1000x128xf32, #tpu.memory_space<vmem>>, vector<1000x128xf32>
    tpu.vector_store %arg8[%swap3A, %swap3A_37], %add3A_36 {strides = array<i32>} : memref<1000x128xf32, #tpu.memory_space<vmem>>, vector<1000x128xf32>,
    %get3A_39 = arith.constant 0 : index
    %get3A_40 = arith.constant 0 : index
    %get3A_41 = arith.constant 0 : index
    %get3A_42 = vector.load %arg3[%get3A_39, %get3A_40, %get3A_41] : memref<1x1x1000xi32, #tpu.memory_space<vmem>>, vector<1x1x1000xi32>
    %get3A_43 = vector.shape_cast %get3A_42 : vector<1x1x1000xi32> to vector<1000xi32>
    %iota3A = tpu.iota {dimensions = array<i32: 0>} : vector<64x1000xi32>
    %broadcast_in_dim3A = vector.shape_cast %get3A_43 : vector<1000xi32> to vector<1x1000xi32>
    %eq3A = vector.broadcast %broadcast_in_dim3A : vector<1x1000xi32> to vector<64x1000xi32>
    %eq3A_44 = arith.cmpi eq, %iota3A, %eq3A : vector<64x1000xi32>
    %convert_element_type3A = arith.extui %eq3A_44 : vector<64x1000xi1> to vector<64x1000xi32>
    %convert_element_type3A_45 = arith.sitofp %convert_element_type3A : vector<64x1000xi32> to vector<64x1000xf32>
    %mul3A_46 = arith.mulf %add3A_36, %add3A_36 : vector<1000x128xf32>
    %broadcast_in_dim3A_47 = arith.constant 1.000000e+00 : f32
    %broadcast_in_dim3A_48 = vector.broadcast %broadcast_in_dim3A_47 : f32 to vector<1000x128xf32>
    %concatenate3A = tpu.concatenate %add3A_36, %mul3A_46, %broadcast_in_dim3A_48 in 1 : vector<1000x128xf32>, vector<1000x128xf32>, vector<1000x128xf32> -> vector<1000x384xf32>
    %eq3A_49 = arith.constant 0 : i32
    %eq3A_50 = arith.cmpi eq, %arg0, %eq3A_49 : i32
    %convert_element_type3A_51 = arith.extui %eq3A_50 : i1 to i32
    %cond3A = arith.constant 0 : i32
    %cond3A_52 = arith.cmpi ne, %convert_element_type3A_51, %cond3A : i32
    scf.if %cond3A_52 {
      %broadcast_in_dim3A_62 = arith.constant 0.000000e+00 : f32
      %broadcast_in_dim3A_63 = vector.broadcast %broadcast_in_dim3A_62 : f32 to vector<64x384xf32>
      %swap3A_64 = arith.constant 0 : index
      %swap3A_65 = arith.constant 0 : index
      %swap3A_66 = vector.load %arg9[%swap3A_64, %swap3A_65] : memref<64x384xf32, #tpu.memory_space<vmem>>, vector<64x384xf32>
      tpu.vector_store %arg9[%swap3A_64, %swap3A_65], %broadcast_in_dim3A_63 {strides = array<i32>} : memref<64x384xf32, #tpu.memory_space<vmem>>, vector<64x384xf32>,
    } else {
    }
    %get3A_53 = arith.constant 0 : index
    %get3A_54 = arith.constant 0 : index
    %get3A_55 = vector.load %arg9[%get3A_53, %get3A_54] : memref<64x384xf32, #tpu.memory_space<vmem>>, vector<64x384xf32>
    %dot_general3A_56 = arith.constant dense<0.000000e+00> : vector<64x384xf32>
    %dot_general3A_57 = tpu.matmul %convert_element_type3A_45, %concatenate3A, %dot_general3A_56 {dimension_numbers = #tpu.dot_dimension_numbers<[1], [0], [0], [1], [0, 0, 1, 1], [], []>, transpose_lhs_hint = false} : vector<64x1000xf32>, vector<1000x384xf32>, vector<64x384xf32> -> vector<64x384xf32>
    %add3A_58 = arith.addf %get3A_55, %dot_general3A_57 : vector<64x384xf32>
    %swap3A_59 = arith.constant 0 : index
    %swap3A_60 = arith.constant 0 : index
    %swap3A_61 = vector.load %arg9[%swap3A_59, %swap3A_60] : memref<64x384xf32, #tpu.memory_space<vmem>>, vector<64x384xf32>
    tpu.vector_store %arg9[%swap3A_59, %swap3A_60], %add3A_58 {strides = array<i32>} : memref<64x384xf32, #tpu.memory_space<vmem>>, vector<64x384xf32>,
    return
  }
  func.func @transform_0(%arg0: i32) -> (i32, i32) {
    %c0_i32 = arith.constant 0 : i32
    %c0_i32_0 = arith.constant 0 : i32
    return %arg0, %c0_i32 : i32, i32
  }
  func.func @transform_1(%arg0: i32) -> (i32, i32, i32) {
    %c0_i32 = arith.constant 0 : i32
    %c0_i32_0 = arith.constant 0 : i32
    %c0_i32_1 = arith.constant 0 : i32
    return %c0_i32, %arg0, %c0_i32_0 : i32, i32, i32
  }
  func.func @transform_2(%arg0: i32) -> (i32, i32, i32) {
    %c0_i32 = arith.constant 0 : i32
    %c0_i32_0 = arith.constant 0 : i32
    %c0_i32_1 = arith.constant 0 : i32
    return %arg0, %c0_i32, %c0_i32_0 : i32, i32, i32
  }
  func.func @transform_3(%arg0: i32) -> (i32, i32) {
    %c0_i32 = arith.constant 0 : i32
    %c0_i32_0 = arith.constant 0 : i32
    %c0_i32_1 = arith.constant 0 : i32
    return %c0_i32, %c0_i32_0 : i32, i32
  }
  func.func @transform_4(%arg0: i32) -> (i32, i32) {
    %c0_i32 = arith.constant 0 : i32
    %c0_i32_0 = arith.constant 0 : i32
    %c0_i32_1 = arith.constant 0 : i32
    return %c0_i32, %c0_i32_0 : i32, i32
  }
  func.func @transform_5(%arg0: i32) -> (i32, i32) {
    %c0_i32 = arith.constant 0 : i32
    %c0_i32_0 = arith.constant 0 : i32
    %c0_i32_1 = arith.constant 0 : i32
    return %c0_i32, %c0_i32_0 : i32, i32
  }
  func.func @transform_6(%arg0: i32) -> (i32, i32) {
    %c0_i32 = arith.constant 0 : i32
    %c0_i32_0 = arith.constant 0 : i32
    %c0_i32_1 = arith.constant 0 : i32
    return %c0_i32, %c0_i32_0 : i32, i32
  }
  func.func @transform_7(%arg0: i32) -> (i32, i32) {
    %c0_i32 = arith.constant 0 : i32
    %c0_i32_0 = arith.constant 0 : i32
    return %arg0, %c0_i32 : i32, i32
  }
  func.func @transform_8(%arg0: i32) -> (i32, i32) {
    %c0_i32 = arith.constant 0 : i32
    %c0_i32_0 = arith.constant 0 : i32
    %c0_i32_1 = arith.constant 0 : i32
    return %c0_i32, %c0_i32_0 : i32, i32
  }
}

module attributes {stable_mosaic.version = 14 : i64} {
  func.func @kern(%arg0: i32, %arg1: memref<1000x128xf32, #tpu.memory_space<vmem>>, %arg2: memref<1000x128xf32, #tpu.memory_space<vmem>>, %arg3: memref<1x1x1000xi32, #tpu.memory_space<vmem>>, %arg4: memref<64x384xf32, #tpu.memory_space<vmem>>, %arg5: memref<64x128xf32, #tpu.memory_space<vmem>>, %arg6: memref<128x128xf32, #tpu.memory_space<vmem>>, %arg7: memref<1x128xf32, #tpu.memory_space<vmem>>, %arg8: memref<128x128xf32, #tpu.memory_space<vmem>>, %arg9: memref<1x128xf32, #tpu.memory_space<vmem>>, %arg10: memref<1x128xf32, #tpu.memory_space<vmem>>, %arg11: memref<1x128xf32, #tpu.memory_space<vmem>>, %arg12: memref<1x128xf32, #tpu.memory_space<vmem>>, %arg13: memref<1000x128xf32, #tpu.memory_space<vmem>>, %arg14: memref<64x256xf32, #tpu.memory_space<vmem>>) attributes {dimension_semantics = [#tpu.dimension_semantics<arbitrary>], iteration_bounds = array<i64: 10>, scalar_prefetch = 0 : i64, scratch_operands = 1 : i64, tpu.core_type = #tpu.core_type<tc>, window_params = [{transform_indices = @transform_0, window_bounds = array<i64: 1000, 128>}, {transform_indices = @transform_1, window_bounds = array<i64: 1000, 128>}, {transform_indices = @transform_2, window_bounds = array<i64: 1, 1, 1000>}, {pipeline_mode = #tpu.pipeline_mode<synchronous>, transform_indices = @transform_3, window_bounds = array<i64: 64, 384>}, {pipeline_mode = #tpu.pipeline_mode<synchronous>, transform_indices = @transform_4, window_bounds = array<i64: 64, 128>}, {pipeline_mode = #tpu.pipeline_mode<synchronous>, transform_indices = @transform_5, window_bounds = array<i64: 128, 128>}, {pipeline_mode = #tpu.pipeline_mode<synchronous>, transform_indices = @transform_6, window_bounds = array<i64: 1, 128>}, {pipeline_mode = #tpu.pipeline_mode<synchronous>, transform_indices = @transform_7, window_bounds = array<i64: 128, 128>}, {pipeline_mode = #tpu.pipeline_mode<synchronous>, transform_indices = @transform_8, window_bounds = array<i64: 1, 128>}, {pipeline_mode = #tpu.pipeline_mode<synchronous>, transform_indices = @transform_9, window_bounds = array<i64: 1, 128>}, {pipeline_mode = #tpu.pipeline_mode<synchronous>, transform_indices = @transform_10, window_bounds = array<i64: 1, 128>}, {pipeline_mode = #tpu.pipeline_mode<synchronous>, transform_indices = @transform_11, window_bounds = array<i64: 1, 128>}, {transform_indices = @transform_12, window_bounds = array<i64: 1000, 128>}]} {
    %eq3A = arith.constant 0 : i32
    %eq3A_0 = arith.cmpi eq, %arg0, %eq3A : i32
    %convert_element_type3A = arith.extui %eq3A_0 : i1 to i32
    %cond3A = arith.constant 0 : i32
    %cond3A_1 = arith.cmpi ne, %convert_element_type3A, %cond3A : i32
    scf.if %cond3A_1 {
      %get3A_30 = arith.constant 0 : index
      %get3A_31 = arith.constant 256 : index
      %get3A_32 = vector.load %arg4[%get3A_30, %get3A_31] : memref<64x384xf32, #tpu.memory_space<vmem>>, vector<64x128xf32>
      %slice3A_33 = vector.extract_strided_slice %get3A_32 {offsets = [0, 0], sizes = [64, 1], strides = [1, 1]} : vector<64x128xf32> to vector<64x1xf32>
      %max3A = arith.constant 1.000000e+00 : f32
      %max3A_34 = vector.broadcast %max3A : f32 to vector<64x1xf32>
      %max3A_35 = arith.maximumf %slice3A_33, %max3A_34 : vector<64x1xf32>
      %get3A_36 = arith.constant 0 : index
      %get3A_37 = arith.constant 0 : index
      %get3A_38 = vector.load %arg4[%get3A_36, %get3A_37] : memref<64x384xf32, #tpu.memory_space<vmem>>, vector<64x128xf32>
      %div3A = vector.broadcast %max3A_35 : vector<64x1xf32> to vector<64x128xf32>
      %div3A_39 = arith.divf %get3A_38, %div3A : vector<64x128xf32>
      %get3A_40 = arith.constant 0 : index
      %get3A_41 = arith.constant 128 : index
      %get3A_42 = vector.load %arg4[%get3A_40, %get3A_41] : memref<64x384xf32, #tpu.memory_space<vmem>>, vector<64x128xf32>
      %div3A_43 = vector.broadcast %max3A_35 : vector<64x1xf32> to vector<64x128xf32>
      %div3A_44 = arith.divf %get3A_42, %div3A_43 : vector<64x128xf32>
      %get3A_45 = arith.constant 0 : index
      %get3A_46 = arith.constant 0 : index
      %get3A_47 = vector.load %arg12[%get3A_45, %get3A_46] : memref<1x128xf32, #tpu.memory_space<vmem>>, vector<1x128xf32>
      %mul3A_48 = arith.mulf %div3A_39, %div3A_39 : vector<64x128xf32>
      %mul3A_49 = vector.broadcast %get3A_47 : vector<1x128xf32> to vector<64x128xf32>
      %mul3A_50 = arith.mulf %mul3A_48, %mul3A_49 : vector<64x128xf32>
      %sub3A = arith.constant 2.000000e+00 : f32
      %sub3A_51 = vector.broadcast %sub3A : f32 to vector<1x128xf32>
      %sub3A_52 = arith.subf %sub3A_51, %get3A_47 : vector<1x128xf32>
      %mul3A_53 = vector.broadcast %sub3A_52 : vector<1x128xf32> to vector<64x128xf32>
      %mul3A_54 = arith.mulf %mul3A_50, %mul3A_53 : vector<64x128xf32>
      %sub3A_55 = arith.subf %div3A_44, %mul3A_54 : vector<64x128xf32>
      %add3A_56 = arith.constant 9.99999974E-6 : f32
      %add3A_57 = vector.broadcast %add3A_56 : f32 to vector<64x128xf32>
      %add3A_58 = arith.addf %sub3A_55, %add3A_57 : vector<64x128xf32>
      %rsqrt3A = math.rsqrt %add3A_58 : vector<64x128xf32>
      %get3A_59 = arith.constant 0 : index
      %get3A_60 = arith.constant 0 : index
      %get3A_61 = vector.load %arg5[%get3A_59, %get3A_60] : memref<64x128xf32, #tpu.memory_space<vmem>>, vector<64x128xf32>
      %get3A_62 = arith.constant 0 : index
      %get3A_63 = arith.constant 0 : index
      %get3A_64 = vector.load %arg6[%get3A_62, %get3A_63] : memref<128x128xf32, #tpu.memory_space<vmem>>, vector<128x128xf32>
      %dot_general3A_65 = arith.constant dense<0.000000e+00> : vector<64x128xf32>
      %dot_general3A_66 = tpu.matmul %get3A_61, %get3A_64, %dot_general3A_65 {dimension_numbers = #tpu.dot_dimension_numbers<[1], [0], [0], [1], [0, 0, 1, 1], [], []>, transpose_lhs_hint = false} : vector<64x128xf32>, vector<128x128xf32>, vector<64x128xf32> -> vector<64x128xf32>
      %get3A_67 = arith.constant 0 : index
      %get3A_68 = arith.constant 0 : index
      %get3A_69 = vector.load %arg7[%get3A_67, %get3A_68] : memref<1x128xf32, #tpu.memory_space<vmem>>, vector<1x128xf32>
      %add3A_70 = vector.broadcast %get3A_69 : vector<1x128xf32> to vector<64x128xf32>
      %add3A_71 = arith.addf %dot_general3A_66, %add3A_70 : vector<64x128xf32>
      %add3A_72 = arith.constant 1.000000e+00 : f32
      %add3A_73 = vector.broadcast %add3A_72 : f32 to vector<64x128xf32>
      %add3A_74 = arith.addf %add3A_71, %add3A_73 : vector<64x128xf32>
      %get3A_75 = arith.constant 0 : index
      %get3A_76 = arith.constant 0 : index
      %get3A_77 = vector.load %arg5[%get3A_75, %get3A_76] : memref<64x128xf32, #tpu.memory_space<vmem>>, vector<64x128xf32>
      %get3A_78 = arith.constant 0 : index
      %get3A_79 = arith.constant 0 : index
      %get3A_80 = vector.load %arg8[%get3A_78, %get3A_79] : memref<128x128xf32, #tpu.memory_space<vmem>>, vector<128x128xf32>
      %dot_general3A_81 = arith.constant dense<0.000000e+00> : vector<64x128xf32>
      %dot_general3A_82 = tpu.matmul %get3A_77, %get3A_80, %dot_general3A_81 {dimension_numbers = #tpu.dot_dimension_numbers<[1], [0], [0], [1], [0, 0, 1, 1], [], []>, transpose_lhs_hint = false} : vector<64x128xf32>, vector<128x128xf32>, vector<64x128xf32> -> vector<64x128xf32>
      %get3A_83 = arith.constant 0 : index
      %get3A_84 = arith.constant 0 : index
      %get3A_85 = vector.load %arg9[%get3A_83, %get3A_84] : memref<1x128xf32, #tpu.memory_space<vmem>>, vector<1x128xf32>
      %add3A_86 = vector.broadcast %get3A_85 : vector<1x128xf32> to vector<64x128xf32>
      %add3A_87 = arith.addf %dot_general3A_82, %add3A_86 : vector<64x128xf32>
      %get3A_88 = arith.constant 0 : index
      %get3A_89 = arith.constant 0 : index
      %get3A_90 = vector.load %arg10[%get3A_88, %get3A_89] : memref<1x128xf32, #tpu.memory_space<vmem>>, vector<1x128xf32>
      %mul3A_91 = arith.mulf %add3A_74, %rsqrt3A : vector<64x128xf32>
      %mul3A_92 = vector.broadcast %get3A_90 : vector<1x128xf32> to vector<64x128xf32>
      %mul3A_93 = arith.mulf %mul3A_91, %mul3A_92 : vector<64x128xf32>
      %get3A_94 = arith.constant 0 : index
      %get3A_95 = arith.constant 0 : index
      %get3A_96 = vector.load %arg11[%get3A_94, %get3A_95] : memref<1x128xf32, #tpu.memory_space<vmem>>, vector<1x128xf32>
      %mul3A_97 = vector.broadcast %get3A_47 : vector<1x128xf32> to vector<64x128xf32>
      %mul3A_98 = arith.mulf %div3A_39, %mul3A_97 : vector<64x128xf32>
      %mul3A_99 = arith.mulf %mul3A_98, %rsqrt3A : vector<64x128xf32>
      %mul3A_100 = vector.broadcast %get3A_90 : vector<1x128xf32> to vector<64x128xf32>
      %mul3A_101 = arith.mulf %mul3A_99, %mul3A_100 : vector<64x128xf32>
      %sub3A_102 = vector.broadcast %get3A_96 : vector<1x128xf32> to vector<64x128xf32>
      %sub3A_103 = arith.subf %sub3A_102, %mul3A_101 : vector<64x128xf32>
      %mul3A_104 = arith.mulf %add3A_74, %sub3A_103 : vector<64x128xf32>
      %add3A_105 = arith.addf %mul3A_104, %add3A_87 : vector<64x128xf32>
      %concatenate3A = tpu.concatenate %mul3A_93, %add3A_105 in 1 : vector<64x128xf32>, vector<64x128xf32> -> vector<64x256xf32>
      %swap3A_106 = arith.constant 0 : index
      %swap3A_107 = arith.constant 0 : index
      %swap3A_108 = vector.load %arg14[%swap3A_106, %swap3A_107] : memref<64x256xf32, #tpu.memory_space<vmem>>, vector<64x256xf32>
      tpu.vector_store %arg14[%swap3A_106, %swap3A_107], %concatenate3A {strides = array<i32>} : memref<64x256xf32, #tpu.memory_space<vmem>>, vector<64x256xf32>,
    } else {
    }
    %get3A = arith.constant 0 : index
    %get3A_2 = arith.constant 0 : index
    %get3A_3 = arith.constant 0 : index
    %get3A_4 = vector.load %arg3[%get3A, %get3A_2, %get3A_3] : memref<1x1x1000xi32, #tpu.memory_space<vmem>>, vector<1x1x1000xi32>
    %get3A_5 = vector.shape_cast %get3A_4 : vector<1x1x1000xi32> to vector<1000xi32>
    %iota3A = tpu.iota {dimensions = array<i32: 1>} : vector<1000x64xi32>
    %broadcast_in_dim3A = vector.shape_cast %get3A_5 : vector<1000xi32> to vector<1000x1xi32>
    %eq3A_6 = vector.broadcast %broadcast_in_dim3A : vector<1000x1xi32> to vector<1000x64xi32>
    %eq3A_7 = arith.cmpi eq, %iota3A, %eq3A_6 : vector<1000x64xi32>
    %convert_element_type3A_8 = arith.extui %eq3A_7 : vector<1000x64xi1> to vector<1000x64xi32>
    %convert_element_type3A_9 = arith.sitofp %convert_element_type3A_8 : vector<1000x64xi32> to vector<1000x64xf32>
    %get3A_10 = arith.constant 0 : index
    %get3A_11 = arith.constant 0 : index
    %get3A_12 = vector.load %arg14[%get3A_10, %get3A_11] : memref<64x256xf32, #tpu.memory_space<vmem>>, vector<64x256xf32>
    %dot_general3A = arith.constant dense<0.000000e+00> : vector<1000x256xf32>
    %dot_general3A_13 = tpu.matmul %convert_element_type3A_9, %get3A_12, %dot_general3A {dimension_numbers = #tpu.dot_dimension_numbers<[1], [0], [0], [1], [0, 0, 1, 1], [], []>, transpose_lhs_hint = false} : vector<1000x64xf32>, vector<64x256xf32>, vector<1000x256xf32> -> vector<1000x256xf32>
    %slice3A = vector.extract_strided_slice %dot_general3A_13 {offsets = [0, 0], sizes = [1000, 128], strides = [1, 1]} : vector<1000x256xf32> to vector<1000x128xf32>
    %get3A_14 = arith.constant 0 : index
    %get3A_15 = arith.constant 0 : index
    %get3A_16 = vector.load %arg2[%get3A_14, %get3A_15] : memref<1000x128xf32, #tpu.memory_space<vmem>>, vector<1000x128xf32>
    %mul3A = arith.mulf %slice3A, %get3A_16 : vector<1000x128xf32>
    %slice3A_17 = vector.extract_strided_slice %dot_general3A_13 {offsets = [0, 128], sizes = [1000, 128], strides = [1, 1]} : vector<1000x256xf32> to vector<1000x128xf32>
    %add3A = arith.addf %mul3A, %slice3A_17 : vector<1000x128xf32>
    %get3A_18 = arith.constant 0 : index
    %get3A_19 = arith.constant 0 : index
    %get3A_20 = vector.load %arg1[%get3A_18, %get3A_19] : memref<1000x128xf32, #tpu.memory_space<vmem>>, vector<1000x128xf32>
    %logistic3A = arith.negf %add3A : vector<1000x128xf32>
    %logistic3A_21 = math.exp %logistic3A : vector<1000x128xf32>
    %logistic3A_22 = arith.constant 1.000000e+00 : f32
    %logistic3A_23 = vector.broadcast %logistic3A_22 : f32 to vector<1000x128xf32>
    %logistic3A_24 = arith.addf %logistic3A_23, %logistic3A_21 : vector<1000x128xf32>
    %logistic3A_25 = arith.divf %logistic3A_23, %logistic3A_24 : vector<1000x128xf32>
    %mul3A_26 = arith.mulf %add3A, %logistic3A_25 : vector<1000x128xf32>
    %add3A_27 = arith.addf %get3A_20, %mul3A_26 : vector<1000x128xf32>
    %swap3A = arith.constant 0 : index
    %swap3A_28 = arith.constant 0 : index
    %swap3A_29 = vector.load %arg13[%swap3A, %swap3A_28] : memref<1000x128xf32, #tpu.memory_space<vmem>>, vector<1000x128xf32>
    tpu.vector_store %arg13[%swap3A, %swap3A_28], %add3A_27 {strides = array<i32>} : memref<1000x128xf32, #tpu.memory_space<vmem>>, vector<1000x128xf32>,
    return
  }
  func.func @transform_0(%arg0: i32) -> (i32, i32) {
    %c0_i32 = arith.constant 0 : i32
    %c0_i32_0 = arith.constant 0 : i32
    return %arg0, %c0_i32 : i32, i32
  }
  func.func @transform_1(%arg0: i32) -> (i32, i32) {
    %c0_i32 = arith.constant 0 : i32
    %c0_i32_0 = arith.constant 0 : i32
    return %arg0, %c0_i32 : i32, i32
  }
  func.func @transform_2(%arg0: i32) -> (i32, i32, i32) {
    %c0_i32 = arith.constant 0 : i32
    %c0_i32_0 = arith.constant 0 : i32
    %c0_i32_1 = arith.constant 0 : i32
    return %arg0, %c0_i32, %c0_i32_0 : i32, i32, i32
  }
  func.func @transform_3(%arg0: i32) -> (i32, i32) {
    %c0_i32 = arith.constant 0 : i32
    %c0_i32_0 = arith.constant 0 : i32
    %c0_i32_1 = arith.constant 0 : i32
    return %c0_i32, %c0_i32_0 : i32, i32
  }
  func.func @transform_4(%arg0: i32) -> (i32, i32) {
    %c0_i32 = arith.constant 0 : i32
    %c0_i32_0 = arith.constant 0 : i32
    %c0_i32_1 = arith.constant 0 : i32
    return %c0_i32, %c0_i32_0 : i32, i32
  }
  func.func @transform_5(%arg0: i32) -> (i32, i32) {
    %c0_i32 = arith.constant 0 : i32
    %c0_i32_0 = arith.constant 0 : i32
    %c0_i32_1 = arith.constant 0 : i32
    return %c0_i32, %c0_i32_0 : i32, i32
  }
  func.func @transform_6(%arg0: i32) -> (i32, i32) {
    %c0_i32 = arith.constant 0 : i32
    %c0_i32_0 = arith.constant 0 : i32
    %c0_i32_1 = arith.constant 0 : i32
    return %c0_i32, %c0_i32_0 : i32, i32
  }
  func.func @transform_7(%arg0: i32) -> (i32, i32) {
    %c0_i32 = arith.constant 0 : i32
    %c0_i32_0 = arith.constant 0 : i32
    %c0_i32_1 = arith.constant 0 : i32
    return %c0_i32, %c0_i32_0 : i32, i32
  }
  func.func @transform_8(%arg0: i32) -> (i32, i32) {
    %c0_i32 = arith.constant 0 : i32
    %c0_i32_0 = arith.constant 0 : i32
    %c0_i32_1 = arith.constant 0 : i32
    return %c0_i32, %c0_i32_0 : i32, i32
  }
  func.func @transform_9(%arg0: i32) -> (i32, i32) {
    %c0_i32 = arith.constant 0 : i32
    %c0_i32_0 = arith.constant 0 : i32
    %c0_i32_1 = arith.constant 0 : i32
    return %c0_i32, %c0_i32_0 : i32, i32
  }
  func.func @transform_10(%arg0: i32) -> (i32, i32) {
    %c0_i32 = arith.constant 0 : i32
    %c0_i32_0 = arith.constant 0 : i32
    %c0_i32_1 = arith.constant 0 : i32
    return %c0_i32, %c0_i32_0 : i32, i32
  }
  func.func @transform_11(%arg0: i32) -> (i32, i32) {
    %c0_i32 = arith.constant 0 : i32
    %c0_i32_0 = arith.constant 0 : i32
    %c0_i32_1 = arith.constant 0 : i32
    return %c0_i32, %c0_i32_0 : i32, i32
  }
  func.func @transform_12(%arg0: i32) -> (i32, i32) {
    %c0_i32 = arith.constant 0 : i32
    %c0_i32_0 = arith.constant 0 : i32
    return %arg0, %c0_i32 : i32, i32
  }
}

</mosaic_0001>

<sc_bundles>
// kernel: kernel.6.cloned.1.call-start
scs
__scs_entry_jumppad:
0x0: {  	(pc) =	sbr.rel $0x88, $3  }
0x1: {  	(tag) =	ssettag $0x0;
	lr =	simm.s32 $0x1  }
0x2: {  	[smem:$0x3F8F] =	sst lr;
	_ =	strace $0xD0000000  }
0x3: {  	_ = 	snop  }
0x4: {  	_ = 	snop  }
0x5: {  	_ = 	snop  }
0x6: {  	_ = 	snop  }
0x7: {  	_ = 	snop  }
__scs_overlays_trampoline_lowered:
0x8: {  	[smem:$0x3F9E] =	sst s0  }
0x9: {  	[smem:$0x3F9F] =	sst s1  }
0xa: {  	[smem:$0x3FA0] =	sst s2  }
0xb: {  	[smem:$0x3FA1] =	sst s3  }
0xc: {  	[smem:$0x3FA2] =	sst s4  }
0xd: {  	[smem:$0x3FA3] =	sst s5  }
0xe: {  	[smem:$0x3FA4] =	sst s6  }
0xf: {  	[smem:$0x3FA5] =	sst s7  }
0x10: {  	[smem:$0x3FA6] =	sst s8  }
0x11: {  	[smem:$0x3FA7] =	sst s9;
	s0 =	simm.s32 @!p0 $0x0  }
0x12: {  	s1 =	sld [smem:$0x3F8D];
	s0 =	simm.s32 @p0 $0x1  }
0x13: {  	[smem:$0x3FA8] =	sst s0;
	s0 =	simm.s32 @!p1 $0x0  }
0x14: {  	s2 =	sld [smem:$0x3F8C];
	s0 =	simm.s32 @p1 $0x1  }
0x15: {  	[smem:$0x3FA9] =	sst s0;
	s0 =	simm.s32 @!p2 $0x0  }
0x16: {  	s3 =	sld [smem:$0x3FDB];
	s0 =	simm.s32 @p2 $0x1  }
0x17: {  	s4 =	simm.s32 $0x1BF5;
	[smem:$0x3FAB] =	sst s0  }
0x18: {  	s0 =	sld [smem:$0x3F8E];
	_ =	swait.ge [sflag:s4], $0x0  }
0x19: {  	s7 =	sld [smem:$0x3F8F]  }
0x1a: {  	s8 =	sadd.s32 $0xFFFFE003, lr  }
0x1b: {  	s9 =	sadd.s32 $0xFFFFFEF7, lr;
	s5 =	simm.s32 $0xFFFFFFFF;
	p2 =	slt.u32 s8, $0xFFFFF086  }
0x1c: {  	p1 =	slt.u32 s9, $0xF7A;
	s5 =	simm.s32 @!p2 $0x0  }
0x1d: {  	s5 =	simm.s32 @p1 $0x1;
	p0 =	seq.s32 s7, s2  }
0x1e: {  	s7 =	smul.u32 @!p0 $0xF7A, s2;
	p2 =	seq.s32 @!p0 s5, $0x0  }
0x1f: {  	s9 =	smul.u32 $0xF7A, s1;
	s8 =	simm.s32 @!p0 $0x1BF5;
	p2 =	por !p2, p0  }
0x20: {  	[sflag:s8] =	ssyncset.s32 @!p0 $0xFFFFF086;
	s6 =	sadd.s32 @!p0 s3, s7;
	s7 =	simm.s32 @!p0 $0x108  }
0x21: {  	s3 =	sadd.s32 s3, s9;
	s6 =	sadd.s32 @!p0 $0x88, s6;
	s7 =	simm.s32 @p2 $0x1082  }
0x22: {  	[simem:s7], [sflag:s8] =	dma.local @!p0 [hbm:s6], $0xF7A  }
0x23: {  	s9 =	sor.u32 $0xD0000000, s2;
	s6 =	simm.s32 $0x108;
	_ =	swait.ge @!p0 [sflag:s8], $0x0  }
0x24: {  	s3 =	sadd.s32 $0x88, s3;
	s6 =	simm.s32 @!p1 $0x1082;
	[sflag:s4] =	ssyncset.s32 $0xFFFFF086  }
0x25: {  	[simem:s6], [sflag:s4] =	dma.local [hbm:s3], $0xF7A  }
0x26: {  	[smem:$0x3F8F] =	sst s1;
	(tag) =	ssettag s2;
	_ =	strace s9  }
0x27: {  	s1 =	sld [smem:$0x3F9F]  }
0x28: {  	s2 =	sld [smem:$0x3FA0]  }
0x29: {  	s4 =	sld [smem:$0x3FA2]  }
0x2a: {  	p0 =	seq.s32 s5, $0x0;
	s5 =	sld [smem:$0x3FA3]  }
0x2b: {  	s6 =	sld [smem:$0x3FA4]  }
0x2c: {  	s7 =	sld [smem:$0x3FA5]  }
0x2d: {  	s3 =	simm.s32 $0x108;
	s8 =	sld [smem:$0x3FA6]  }
0x2e: {  	s3 =	simm.s32 @!p0 $0x1082;
	s9 =	sld [smem:$0x3FA7]  }
0x2f: {  	lr =	sadd.s32 s0, s3;
	s0 =	sld [smem:$0x3F9E]  }
0x30: {  	s3 =	sld [smem:$0x3FA1]  }
0x31: {  	[smem:$0x3FAA] =	sst s10  }
0x32: {  	s10 =	sld [smem:$0x3FA8];
	_ =	sdelay $0x3  }
0x33: {  	p0 =	seq.s32 s10, $0x1;
	s10 =	sld [smem:$0x3FAA];
	_ =	sdelay $0x3  }
0x34: {  	[smem:$0x3FAA] =	sst s10  }
0x35: {  	s10 =	sld [smem:$0x3FA9];
	_ =	sdelay $0x3  }
0x36: {  	p1 =	seq.s32 s10, $0x1;
	s10 =	sld [smem:$0x3FAA];
	_ =	sdelay $0x3  }
0x37: {  	[smem:$0x3FAA] =	sst s10  }
0x38: {  	s10 =	sld [smem:$0x3FAB]  }
0x39: {  	_ = 	snop;
	(pc) =	sbr.ind lr, $3  }
0x3a: {  	_ = 	snop  }
0x3b: {  	_ = 	snop  }
0x3c: {  	p2 =	seq.s32 s10, $0x1;
	s10 =	sld [smem:$0x3FAA]  }
0x3d: {  	_ =	shalt  }
0x3e: {  	_ =	shalt  }
0x3f: {  	_ =	shalt  }
0x40: {  	_ =	shalt  }
0x41: {  	_ =	shalt  }
0x42: {  	_ =	shalt  }
0x43: {  	_ =	shalt  }
0x44: {  	_ =	shalt  }
0x45: {  	_ =	shalt  }
0x46: {  	_ =	shalt  }
0x47: {  	_ =	shalt  }
0x48: {  	_ =	shalt  }
0x49: {  	_ =	shalt  }
0x4a: {  	_ =	shalt  }
0x4b: {  	_ =	shalt  }
0x4c: {  	_ =	shalt  }
0x4d: {  	_ =	shalt  }
0x4e: {  	_ =	shalt  }
0x4f: {  	_ =	shalt  }
0x50: {  	_ =	shalt  }
0x51: {  	_ =	shalt  }
0x52: {  	_ =	shalt  }
0x53: {  	_ =	shalt  }
0x54: {  	_ =	shalt  }
0x55: {  	_ =	shalt  }
0x56: {  	_ =	shalt  }
0x57: {  	_ =	shalt  }
0x58: {  	_ =	shalt  }
0x59: {  	_ =	shalt  }
0x5a: {  	_ =	shalt  }
0x5b: {  	_ =	shalt  }
0x5c: {  	_ =	shalt  }
0x5d: {  	_ =	shalt  }
0x5e: {  	_ =	shalt  }
0x5f: {  	_ =	shalt  }
0x60: {  	_ =	shalt  }
0x61: {  	_ =	shalt  }
0x62: {  	_ =	shalt  }
0x63: {  	_ =	shalt  }
0x64: {  	_ =	shalt  }
0x65: {  	_ =	shalt  }
0x66: {  	_ =	shalt  }
0x67: {  	_ =	shalt  }
0x68: {  	_ =	shalt  }
0x69: {  	_ =	shalt  }
0x6a: {  	_ =	shalt  }
0x6b: {  	_ =	shalt  }
0x6c: {  	_ =	shalt  }
0x6d: {  	_ =	shalt  }
0x6e: {  	_ =	shalt  }
0x6f: {  	_ =	shalt  }
0x70: {  	_ =	shalt  }
0x71: {  	_ =	shalt  }
0x72: {  	_ =	shalt  }
0x73: {  	_ =	shalt  }
0x74: {  	_ =	shalt  }
0x75: {  	_ =	shalt  }
0x76: {  	_ =	shalt  }
0x77: {  	_ =	shalt  }
0x78: {  	_ =	shalt  }
0x79: {  	_ =	shalt  }
0x7a: {  	_ =	shalt  }
0x7b: {  	_ =	shalt  }
0x7c: {  	_ =	shalt  }
0x7d: {  	_ =	shalt  }
0x7e: {  	_ =	shalt  }
0x7f: {  	_ =	shalt  }
0x80: {  	_ =	shalt  }
0x81: {  	_ =	shalt  }
0x82: {  	_ =	shalt  }
0x83: {  	_ =	shalt  }
0x84: {  	_ =	shalt  }
0x85: {  	_ =	shalt  }
0x86: {  	_ =	shalt  }
0x87: {  	_ =	shalt  }
.Lfunc_end0:
.L_simem_size_0:
called_computation_lowered:
.L_overlay_start_0:
0x88: {  	s2 =	sld [smem:$0x3FD9]  }
0x89: {  	s3 =	sld [smem:$0x3FFE];
	_ =	sdelay $0x1  }
0x8a: {  	s1 =	srdreg.scid  }
0x8b: {  	s0 =	sand.u32 $0x1, s1  }
0x8c: {  	s17 =	sshll.u32 s0, $0xA;
	s2 =	sadd.s32 s3, s2  }
0x8d: {  	s2 =	sadd.s32 s2, s17  }
0x8e: {  	[smem:$0x3FB6] =	sst s2  }
0x8f: {  	_ = 	snop  }
0x90: {  	s2 =	sld [smem:$0x3FC9]  }
0x91: {  	s18 =	sld [smem:$0x3FD0];
	(tm) =	ssettm $0x1  }
0x92: {  	s4 =	sld [smem:$0x3FFB];
	_ =	sdelay $0x3  }
0x93: {  	_ =	strace s4  }
0x94: {  	s4 =	sld [smem:$0x3FFC];
	_ =	sdelay $0x3  }
0x95: {  	_ =	strace s4  }
0x96: {  	s4 =	sld [smem:$0x3FFD];
	_ =	sdelay $0x3  }
0x97: {  	_ =	strace s4  }
0x98: {  	_ =	strace $0x8FFFFFFF  }
0x99: {  	s19 =	sld [smem:$0x3FDB];
	_ =	sdelay $0x1  }
0x9a: {  	s5 =	simm.s32 $_scs_section_size  }
0x9b: {  	s6 =	simm.s32 $_size__tile_overlayer_lowered;
	s7 =	simm.s32 $_tile_overlayer_lowered  }
0x9c: {  	s22 =	simm.s32 $0x1BFF;
	s21 =	sshll.u32 s7, $0x1;
	s4 =	sadd.s32 s5, s19  }
0x9d: {  	s8 =	simm.s32 $0x0;
	s20 =	sshll.u32 s6, $0x1;
	s6 =	sadd.s32 s21, s4  }
0x9e: {  	[timem:s8], [sflag:s22] =	dma.local [hbm:s6], s20  }
0x9f: {  	_ =	swait.ge [sflag:s22], s20  }
0xa0: {  	s5 =	ssub.s32 $0x0, s20;
	[sflag:s22] =	ssyncset.done $0x0  }
0xa1: {  	[sflag:s22] =	ssyncadd.s32 s5;
	_ =	sdelay $0x1  }
0xa2: {  	s23 =	simm.s32 $0x1B8B  }
0xa3: {  	_ =	swait.ge [sflag:s23], $0x1  }
0xa4: {  	[sflag:s23] =	ssyncset.done $0x0  }
0xa5: {  	s25 =	simm.s32 $0x1B8E;
	s24 =	sld [smem:$0x3FFE];
	[sflag:s23] =	ssyncadd.s32 $0xFFFFFFFF  }
0xa6: {  	s26 =	simm.s32 $execute0_lowered;
	[smem:$0x3FD2] =	sst s25  }
0xa7: {  	s6 =	sshll.u32 s26, $0x1;
	_ =	strace $0x80000046;
	[dreg:$0x1] =	wrdreg $0xFFFFFFFF  }
0xa8: {  	s28 =	simm.s32 $_size_execute0_lowered;
	s4 =	sadd.s32 s4, s6;
	[dreg:$0x0] =	wrdreg $0x0  }
0xa9: {  	s6 =	sshll.u32 s28, $0x1;
	[dreg:$0x2] =	wrdreg s4  }
0xaa: {  	[dreg:$0x3] =	wrdreg s6  }
0xab: {  	[dreg:$0x4] =	wrdreg $0xC0  }
0xac: {  	_ =	task [dreg:s8], $0x5FFFF  }
0xad: {  	[dreg:$0x1] =	wrdreg $0xFFFFFFFF  }
0xae: {  	[dreg:$0x0] =	wrdreg $0x60  }
0xaf: {  	[dreg:$0x2] =	wrdreg s2  }
0xb0: {  	[dreg:$0x3] =	wrdreg s24  }
0xb1: {  	[dreg:$0x4] =	wrdreg s18  }
0xb2: {  	[dreg:$0x5] =	wrdreg $0x0  }
0xb3: {  	[dreg:$0x6] =	wrdreg $0x9  }
0xb4: {  	_ =	task.clear_ibuf [dreg:s8], $0x7FFFF;
	_ =	strace $0x90000046  }
0xb5: {  	s29 =	simm.s32 $0x9;
	_ =	strace $0x80000048  }
0xb6: {  	_ =	swait.ge [sflag:s29], $0x1  }
0xb7: {  	[sflag:s29] =	ssyncadd.s32 $0xFFFFFFFF  }
0xb8: {  	_ =	strace $0x90000048  }
0xb9: {  	_ =	sfence  }
0xba: {  	s30 =	sld [smem:$0x0];
	_ =	sdelay $0x2  }
0xbb: {  	s31 =	sshll.u32 s1, $0xD;
	s1 =	sshrl.u32 s1, $0x2  }
0xbc: {  	s3 =	sand.u32 $0x4000, s31;
	s1 =	sadd.s32 s1, s30  }
0xbd: {  	s0 =	sor.u32 s3, s0;
	s1 =	sshll.u32 s1, $0x11  }
0xbe: {  	s0 =	sor.u32 s1, s0  }
0xbf: {  	s0 =	sadd.s32 $0x8F2B, s0  }
0xc0: {  	[sflag:s0] =	ssyncadd.remote.s32 $0x1  }
0xc1: {  	_ =	sfence.sel $0xFFFF  }
0xc2: {  	[dreg:$0x0] =	wrdreg $0xFFFFFFFF;
	(pc) =	sbr.abs _section_cstart, $3  }
0xc3: {  	[dreg:$0x1] =	wrdreg $0xFFFFFFFF  }
0xc4: {  	_ =	task.clear_ibuf [dreg:s8], $0x2FFFF;
	_ =	strace $0x9FFFFFFF  }
0xc5: {  	(tm) =	ssettm $0x7FFFFFFF  }
tec
execute0_lowered:
.L_overlay_start_1:
0x0: {  	(tag) =	ssettag $0x1  }
0x1: {  	s1 =	rddreg [dreg:$0x0]  }
0x2: {  	s4 =	rddreg [dreg:$0x1]  }
0x3: {  	s0 =	srdreg.scid;
	s25 =	stileid.u32  }
0x4: {  	s2 =	rddreg [dreg:$0x2];
	s6 =	sand.u32 $0x1, s0;
	s9 =	smul.u32 $0x2800, s25  }
0x5: {  	s3 =	rddreg [dreg:$0x3];
	s8 =	sor.u32 $0x10, s25;
	s7 =	smul.u32 $0x138800, s6  }
0x6: {  	s5 =	simm.s32 $0x0;
	s11 =	sor.u32 $0x20, s25;
	s12 =	smul.u32 $0x2800, s8  }
0x7: {  	s28 =	simm.s32 $0x4;
	s13 =	sor.u32 $0x30, s25;
	s14 =	smul.u32 $0x2800, s11  }
0x8: {  	s29 =	simm.s32 $0x2;
	s18 =	sor.u32 $0x40, s25;
	s16 =	smul.u32 $0x2800, s13  }
0x9: {  	[smem:$0x7FF] =	sst s5;
	s19 =	sor.u32 $0x50, s25;
	s24 =	smul.u32 $0x2800, s18  }
0xa: {  	s10 =	sadd.s32 $0xC200, s4;
	s20 =	sor.u32 $0x60, s25;
	s21 =	smul.u32 $0x2800, s19  }
0xb: {  	s17 =	sshll.u32 s25, $0x1;
	s22 =	sor.u32 $0x70, s25;
	s26 =	smul.u32 $0x2800, s20  }
0xc: {  	_ =	strace $0x80000047;
	s0 =	ssub.s32 $0x2, s6;
	s23 =	smul.u32 $0x2800, s22  }
0xd: {  	s6 =	sor.u32 s6, s17;
	s8 =	smul.u32 $0xA000, s8;
	s15 =	sshrl.u32 s0, $0x1  }
0xe: {  	s0 =	ssub.s32 s0, s15;
	s9 =	sadd.s32 s9, s7;
	s12 =	sadd.s32 s7, s12  }
0xf: {  	s14 =	sadd.s32 s7, s14;
	s16 =	sadd.s32 s7, s16;
	s15 =	sadd.s32 s7, s24  }
0x10: {  	s21 =	sadd.s32 s7, s21;
	s17 =	sadd.s32 s7, s26;
	s7 =	sadd.s32 s7, s23  }
0x11: {  	s23 =	smul.u32 $0xA000, s25;
	s9 =	sshrl.u32 s9, $0x3;
	s12 =	sshrl.u32 s12, $0x3  }
0x12: {  	s14 =	sshrl.u32 s14, $0x3;
	s24 =	sshrl.u32 s16, $0x3;
	s26 =	sshrl.u32 s15, $0x3  }
0x13: {  	s21 =	sshrl.u32 s21, $0x3;
	s7 =	sshrl.u32 s7, $0x3;
	s0 =	smax.u32 s0, $0x1  }
0x14: {  	s9 =	sadd.s32 s10, s9;
	s12 =	sadd.s32 s10, s12;
	[dreg:$0x16] =	wrdreg s0  }
0x15: {  	s15 =	sadd.s32 s10, s24;
	s16 =	sadd.s32 s10, s26;
	[dreg:$0x5] =	wrdreg s9  }
0x16: {  	s24 =	sshrl.u32 s17, $0x3;
	s7 =	sadd.s32 s10, s7;
	[dreg:$0x6] =	wrdreg s12  }
0x17: {  	s9 =	sadd.s32 s10, s14;
	[dreg:$0x8] =	wrdreg s15;
	s12 =	smul.u32 $0xA000, s18  }
0x18: {  	[dreg:$0x7] =	wrdreg s9;
	s9 =	sadd.s32 s10, s21;
	s21 =	smul.u32 $0xA000, s19  }
0x19: {  	s26 =	sadd.s32 s10, s24;
	s10 =	sshrl.u32 s23, $0x2;
	s23 =	smul.u32 $0xA000, s20  }
0x1a: {  	p0 =	sgt.u32 s25, $0xC;
	[dreg:$0xb] =	wrdreg s26;
	s26 =	smul.u32 $0xA000, s22  }
0x1b: {  	s8 =	sshrl.u32 s8, $0x2;
	[dreg:$0x9] =	wrdreg s16;
	s19 =	smul.u32 $0x27100, s6  }
0x1c: {  	s25 =	simm.s32 $0x3;
	[dreg:$0xa] =	wrdreg s9;
	s9 =	smul.u32 $0xA000, s11  }
0x1d: {  	s17 =	sadd.s32 s8, s3;
	[dreg:$0xc] =	wrdreg s7;
	s11 =	smul.u32 $0xA000, s13  }
0x1e: {  	s14 =	sadd.s32 $0x2400, s4;
	s16 =	sadd.s32 s10, s3;
	s10 =	smul.u32 $0x4E2, s6  }
0x1f: {  	s15 =	sadd.s32 $0x273400, s4;
	s7 =	sshrl.u32 s12, $0x2;
	s12 =	smul.u32 $0x2710, s6  }
0x20: {  	s24 =	sshrl.u32 s21, $0x2;
	s31 =	sadd.s32 s7, s3;
	s4 =	sshrl.u32 s9, $0x2  }
0x21: {  	s13 =	sshrl.u32 s11, $0x2;
	s8 =	sadd.s32 s24, s3;
	s11 =	sshrl.u32 s26, $0x2  }
0x22: {  	s24 =	smul.u32 $0x7D, s6;
	s20 =	sadd.s32 $0x50, s12;
	s21 =	sadd.s32 s14, s10  }
0x23: {  	s7 =	sadd.s32 s2, s10;
	s6 =	simm.s32 $0x13A80;
	s9 =	simm.s32 $0x13980  }
0x24: {  	s10 =	simm.s32 $0x50;
	s12 =	simm.s32 $0x13A00;
	[dreg:$0xd] =	wrdreg s8  }
0x25: {  	s18 =	sadd.s32 s4, s3;
	s30 =	sadd.s32 s13, s3;
	[dreg:$0x10] =	wrdreg s21  }
0x26: {  	s4 =	sshrl.u32 s23, $0x2;
	s13 =	sadd.s32 s11, s3;
	[dreg:$0x11] =	wrdreg s7  }
0x27: {  	s22 =	sshrl.u32 s20, $0x3;
	s4 =	sadd.s32 s4, s3;
	[dreg:$0xf] =	wrdreg s13  }
.Ltmp0:
0x28: {  	s23 =	sadd.s32 s14, s22;
	[dreg:$0xe] =	wrdreg s4;
	(pc) =	sbr.rel .LBB2_1-.Ltmp0, $4  }
0x29: {  	s26 =	sshll.u32 s20, $0x4;
	s4 =	sadd.s32 s15, s19;
	[dreg:$0x13] =	wrdreg s23  }
0x2a: {  	s7 =	simm.s32 $0x5;
	[dreg:$0x12] =	wrdreg s4;
	s4 =	sadd.s32 s2, s22  }
0x2b: {  	s13 =	simm.s32 $0x16280;
	[dreg:$0x14] =	wrdreg s4;
	s4 =	sadd.s32 s15, s26  }
0x2c: {  	v0 =	vimm.f32 $0.0e+00;
	s26 =	simm.s32 $0x1;
	[dreg:$0x15] =	wrdreg s4;
	s4 =	sadd.s32 $0x7D, s24  }
.LBB2_11:
0x2d: {  	s0 =	stileid.u32  }
0x2e: {  	[bflag:$0x0] =	sbarrier.arrive $0xFFFF;
	s0 =	sshll.u32 s0, $0x6  }
0x2f: {  	s8 =	sshrl.u32 s19, $0x3;
	s11 =	rddreg [dreg:$0x5];
	s0 =	sor.u32 $0x1C05, s0  }
0x30: {  	[hbm:s11], [sflag:s0] =	dma.local [spmem:s8], $0x500  }
0x31: {  	_ =	swait.ge [sflag:s7], $0x500  }
0x32: {  	s16 =	smov.u32 s19;
	s17 =	smov.u32 s20;
	[sflag:s7] =	ssyncset.done $0x0  }
0x33: {  	s19 =	sshrl.u32 s20, $0x3;
	s20 =	rddreg [dreg:$0x6];
	[sflag:s7] =	ssyncadd.s32 $0xFFFFFB00  }
0x34: {  	[hbm:s20], [sflag:s0] =	dma.local [spmem:s19], $0x500  }
0x35: {  	_ =	swait.ge [sflag:s7], $0x500  }
0x36: {  	[sflag:s7] =	ssyncset.done $0x0  }
0x37: {  	s11 =	sshrl.u32 s21, $0x3;
	s19 =	rddreg [dreg:$0x7];
	[sflag:s7] =	ssyncadd.s32 $0xFFFFFB00  }
0x38: {  	[hbm:s19], [sflag:s0] =	dma.local [spmem:s11], $0x500  }
0x39: {  	_ =	swait.ge [sflag:s7], $0x500  }
0x3a: {  	s18 =	smov.u32 s21;
	[sflag:s7] =	ssyncset.done $0x0  }
0x3b: {  	s20 =	sshrl.u32 s22, $0x3;
	s21 =	rddreg [dreg:$0x8];
	[sflag:s7] =	ssyncadd.s32 $0xFFFFFB00  }
0x3c: {  	[hbm:s21], [sflag:s0] =	dma.local [spmem:s20], $0x500  }
0x3d: {  	_ =	swait.ge [sflag:s7], $0x500  }
0x3e: {  	s30 =	smov.u32 s22;
	s31 =	smov.u32 s23;
	[sflag:s7] =	ssyncset.done $0x0  }
0x3f: {  	s22 =	sshrl.u32 s23, $0x3;
	s23 =	rddreg [dreg:$0x9];
	[sflag:s7] =	ssyncadd.s32 $0xFFFFFB00  }
0x40: {  	[hbm:s23], [sflag:s0] =	dma.local [spmem:s22], $0x500  }
0x41: {  	_ =	swait.ge [sflag:s7], $0x500  }
0x42: {  	[sflag:s7] =	ssyncset.done $0x0;
	s19 =	rddreg [dreg:$0xd]  }
0x43: {  	s20 =	rddreg [dreg:$0xa];
	[sflag:s7] =	ssyncadd.s32 $0xFFFFFB00;
	s8 =	sshrl.u32 s19, $0x3  }
0x44: {  	[hbm:s20], [sflag:s0] =	dma.local [spmem:s8], $0x500  }
0x45: {  	_ =	swait.ge [sflag:s7], $0x500  }
0x46: {  	[sflag:s7] =	ssyncset.done $0x0;
	s21 =	rddreg [dreg:$0xe]  }
0x47: {  	s22 =	rddreg [dreg:$0xb];
	[sflag:s7] =	ssyncadd.s32 $0xFFFFFB00;
	s8 =	sshrl.u32 s21, $0x3  }
0x48: {  	[hbm:s22], [sflag:s0] =	dma.local [spmem:s8], $0x500  }
0x49: {  	_ =	swait.ge [sflag:s7], $0x500  }
0x4a: {  	[sflag:s7] =	ssyncset.done $0x0;
	s8 =	rddreg [dreg:$0xf]  }
0x4b: {  	s11 =	rddreg [dreg:$0xc];
	[sflag:s7] =	ssyncadd.s32 $0xFFFFFB00;
	s8 =	sshrl.u32 @!p0 s8, $0x3  }
0x4c: {  	[hbm:s11], [sflag:s0] =	dma.local @!p0 [spmem:s8], $0x500  }
0x4d: {  	s0 =	simm.s32 @!p0 $0x5  }
0x4e: {  	_ =	swait.ge @!p0 [sflag:s0], $0x500  }
0x4f: {  	s5 =	sadd.s32 $0x1, s5;
	s23 =	rddreg [dreg:$0x16]  }
0x50: {  	p1 =	sne.s32 s5, s23  }
.Ltmp1:
0x51: {  	_ = 	snop;
	(pc) =	sbr.rel @!p1 .LBB2_12-.Ltmp1, $3  }
0x52: {  	_ =	sdelay $0x1  }
0x53: {  	[sflag:s0] =	ssyncset.done @!p0 $0x0  }
0x54: {  	[sflag:s0] =	ssyncadd.s32 @!p0 $0xFFFFFB00  }
.LBB2_1:
0x55: {  	s0 =	simm.s32 $0x0;
	s8 =	simm.s32 $0x200  }
.LBB2_2:
0x56: {  	p1 =	sne.s32 s8, $0x9E00;
	[tilespmem:s0+$0x13AF0] =	vst v0  }
0x57: {  	[tilespmem:s0+$0x13A80] =	vst v0  }
0x58: {  	[tilespmem:s0+$0x13A90] =	vst v0  }
.Ltmp2:
0x59: {  	[tilespmem:s0+$0x13AA0] =	vst v0;
	(pc) =	sbr.rel @p1 .LBB2_2-.Ltmp2, $4  }
0x5a: {  	[tilespmem:s0+$0x13AB0] =	vst v0  }
0x5b: {  	[tilespmem:s0+$0x13AC0] =	vst v0  }
0x5c: {  	[tilespmem:s0+$0x13AD0] =	vst v0  }
0x5d: {  	[tilespmem:s0+$0x13AE0] =	vst v0;
	s0 =	sshra.s32 s8, $0x2;
	s8 =	sadd.s32 $0x200, s8  }
0x5e: {  	[tilespmem:s0+$0x13AF0] =	vst v0  }
0x5f: {  	[tilespmem:s0+$0x13A80] =	vst v0  }
0x60: {  	[tilespmem:s0+$0x13A90] =	vst v0  }
0x61: {  	[tilespmem:s0+$0x13AA0] =	vst v0  }
0x62: {  	[tilespmem:s0+$0x13AB0] =	vst v0  }
0x63: {  	[tilespmem:s0+$0x13AC0] =	vst v0  }
0x64: {  	[tilespmem:s0+$0x13AD0] =	vst v0  }
0x65: {  	[tilespmem:s0+$0x13AE0] =	vst v0  }
0x66: {  	[spmem:s16] =	stream.linear.scatter [tilespmem:s6], [sflag:$0x5], $0x2800, $0x38;
	[tilespmem:$0x1DA80] =	vst v63  }
0x67: {  	_ =	swait.ge [sflag:s7], $0x2800  }
0x68: {  	[sflag:s7] =	ssyncset.done $0x0  }
0x69: {  	[sflag:s7] =	ssyncadd.s32 $0xFFFFD800  }
0x6a: {  	[spmem:s17] =	stream.linear.scatter [tilespmem:s6], [sflag:$0x5], $0x2800, $0x38;
	[tilespmem:$0x1DA80] =	vst v63  }
0x6b: {  	_ =	swait.ge [sflag:s7], $0x2800  }
0x6c: {  	[sflag:s7] =	ssyncset.done $0x0  }
0x6d: {  	[sflag:s7] =	ssyncadd.s32 $0xFFFFD800  }
0x6e: {  	[spmem:s18] =	stream.linear.scatter [tilespmem:s6], [sflag:$0x5], $0x2800, $0x38;
	[tilespmem:$0x1DA80] =	vst v63  }
0x6f: {  	_ =	swait.ge [sflag:s7], $0x2800  }
0x70: {  	[sflag:s7] =	ssyncset.done $0x0  }
0x71: {  	[sflag:s7] =	ssyncadd.s32 $0xFFFFD800  }
0x72: {  	[spmem:s30] =	stream.linear.scatter [tilespmem:s6], [sflag:$0x5], $0x2800, $0x38;
	[tilespmem:$0x1DA80] =	vst v63  }
0x73: {  	_ =	swait.ge [sflag:s7], $0x2800  }
0x74: {  	[sflag:s7] =	ssyncset.done $0x0  }
0x75: {  	[sflag:s7] =	ssyncadd.s32 $0xFFFFD800  }
0x76: {  	[spmem:s31] =	stream.linear.scatter [tilespmem:s6], [sflag:$0x5], $0x2800, $0x38;
	[tilespmem:$0x1DA80] =	vst v63  }
0x77: {  	_ =	swait.ge [sflag:s7], $0x2800  }
0x78: {  	[sflag:s7] =	ssyncset.done $0x0  }
0x79: {  	s8 =	rddreg [dreg:$0xd];
	[sflag:s7] =	ssyncadd.s32 $0xFFFFD800  }
0x7a: {  	[spmem:s8] =	stream.linear.scatter [tilespmem:s6], [sflag:$0x5], $0x2800, $0x38;
	[tilespmem:$0x1DA80] =	vst v63  }
0x7b: {  	_ =	swait.ge [sflag:s7], $0x2800  }
0x7c: {  	[sflag:s7] =	ssyncset.done $0x0  }
0x7d: {  	s11 =	rddreg [dreg:$0xe];
	[sflag:s7] =	ssyncadd.s32 $0xFFFFD800  }
0x7e: {  	[spmem:s11] =	stream.linear.scatter [tilespmem:s6], [sflag:$0x5], $0x2800, $0x38;
	[tilespmem:$0x1DA80] =	vst v63  }
0x7f: {  	_ =	swait.ge [sflag:s7], $0x2800  }
0x80: {  	[sflag:s7] =	ssyncset.done $0x0  }
0x81: {  	s0 =	simm.s32 @!p0 $0x13A80;
	s8 =	rddreg [dreg:$0xf];
	[sflag:s7] =	ssyncadd.s32 $0xFFFFD800  }
0x82: {  	[spmem:s8] =	stream.linear.scatter @!p0 [tilespmem:s0], [sflag:$0x5], $0x2800, $0x38;
	[tilespmem:$0x1DA80] =	vst v63  }
0x83: {  	s0 =	simm.s32 @!p0 $0x5  }
0x84: {  	_ =	swait.ge @!p0 [sflag:s0], $0x2800  }
0x85: {  	[sflag:s0] =	ssyncset.done @!p0 $0x0  }
0x86: {  	s19 =	smov.u32 s16;
	[sflag:s0] =	ssyncadd.s32 @!p0 $0xFFFFD800  }
0x87: {  	s20 =	smov.u32 s17;
	s22 =	smov.u32 s30;
	[bflag:$0x0] =	sbarrier.arrive $0xFFFF  }
0x88: {  	s17 =	simm.s32 $0x13880;
	s30 =	simm.s32 $0x0;
	s16 =	rddreg [dreg:$0x10]  }
0x89: {  	[tilespmem:s17], [sflag:$0x5] =	stream.linear.gather [hbm4b:s16+s30], $0x50, $0x38;
	[tilespmem:$0x1DA80] =	vst v63  }
0x8a: {  	_ =	swait.ge [sflag:s7], $0x50  }
0x8b: {  	[sflag:s7] =	ssyncset.done $0x0  }
0x8c: {  	s21 =	smov.u32 s18;
	s18 =	rddreg [dreg:$0x11];
	[sflag:s7] =	ssyncadd.s32 $0xFFFFFFB0  }
0x8d: {  	[tilespmem:s9], [sflag:$0x5] =	stream.linear.gather [hbm4b:s18+s30], $0x50, $0x38;
	[tilespmem:$0x1DA80] =	vst v63  }
0x8e: {  	_ =	swait.ge [sflag:s7], $0x50  }
0x8f: {  	s23 =	smov.u32 s31;
	[sflag:s7] =	ssyncset.done $0x0  }
0x90: {  	s11 =	simm.s32 $0x18A80;
	s31 =	rddreg [dreg:$0x12];
	[sflag:s7] =	ssyncadd.s32 $0xFFFFFFB0  }
0x91: {  	[tilespmem:s11], [sflag:$0x3] =	stream.linear.gather [hbm4b:s31+s30], $0x2800, $0x38;
	[tilespmem:$0x1DA80] =	vst v63  }
0x92: {  	_ = 	snop  }
0x93: {  	[tilespmem:s6], [sflag:$0x1] =	stream.indirect.gather [hbm4b:s1+s10], $0x80, s17, s10, $0xb8;
	[tilespmem:$0x1DA80] =	vst v63  }
0x94: {  	s16 =	simm.s32 $0x13900;
	s11 =	rddreg [dreg:$0x13]  }
0x95: {  	[tilespmem:s16], [sflag:$0x5] =	stream.linear.gather [hbm4b:s11+s30], $0x50, $0x38;
	[tilespmem:$0x1DA80] =	vst v63  }
0x96: {  	_ =	swait.ge [sflag:s7], $0x50  }
0x97: {  	[sflag:s7] =	ssyncset.done $0x0  }
0x98: {  	s17 =	rddreg [dreg:$0x14];
	[sflag:s7] =	ssyncadd.s32 $0xFFFFFFB0  }
0x99: {  	[tilespmem:s12], [sflag:$0x5] =	stream.linear.gather [hbm4b:s17+s30], $0x50, $0x38;
	[tilespmem:$0x1DA80] =	vst v63  }
0x9a: {  	_ =	swait.ge [sflag:s7], $0x50  }
.Ltmp3:
0x9b: {  	[sflag:s7] =	ssyncset.done $0x0;
	(pc) =	sbr.rel .LBB2_4-.Ltmp3, $4  }
0x9c: {  	s31 =	simm.s32 $0x1B280;
	s18 =	rddreg [dreg:$0x15];
	[sflag:s7] =	ssyncadd.s32 $0xFFFFFFB0  }
0x9d: {  	[tilespmem:s31], [sflag:$0x4] =	stream.linear.gather [hbm4b:s18+s30], $0x2800, $0x38;
	[tilespmem:$0x1DA80] =	vst v63  }
0x9e: {  	_ = 	snop  }
0x9f: {  	[tilespmem:s13], [sflag:$0x2] =	stream.indirect.gather [hbm4b:s1+s10], $0x80, s16, s10, $0xb8;
	[tilespmem:$0x1DA80] =	vst v63  }
.LBB2_10:
0xa0: {  	s30 =	sadd.s32 $0x1, s30  }
0xa1: {  	p1 =	sne.s32 s30, $0x3F  }
.Ltmp4:
0xa2: {  	_ = 	snop;
	(pc) =	sbr.rel @!p1 .LBB2_11-.Ltmp4, $1  }
0xa3: {  	_ =	sdelay $0x3  }
.LBB2_4:
0xa4: {  	_ =	swait.ge [sflag:s25], $0x2800  }
0xa5: {  	[sflag:s25] =	ssyncset.done $0x0  }
0xa6: {  	[sflag:s25] =	ssyncadd.s32 $0xFFFFD800  }
0xa7: {  	_ =	swait.ge [sflag:s26], $0x2800  }
0xa8: {  	[sflag:s26] =	ssyncset.done $0x0  }
0xa9: {  	s8 =	simm.s32 $0x0;
	[sflag:s26] =	ssyncadd.s32 $0xFFFFD800  }
0xaa: {  	v4 =	vld [tilespmem:s8+$0x18A80]  }
0xab: {  	v3 =	vld [tilespmem:s8+$0x18A90]  }
0xac: {  	v2 =	vld [tilespmem:s8+$0x18AA0]  }
0xad: {  	v1 =	vld [tilespmem:s8+$0x18AB0]  }
0xae: {  	v9 =	vld [tilespmem:s8+$0x13A80]  }
0xaf: {  	v8 =	vld [tilespmem:s8+$0x13A90]  }
0xb0: {  	v7 =	vld [tilespmem:s8+$0x13AA0]  }
0xb1: {  	v6 =	vld [tilespmem:s8+$0x13AB0]  }
0xb2: {  	v5 =	vld [tilespmem:s8+$0x13AC0];
	v11 =	vunpack.i.l.bf16.f32 v4  }
0xb3: {  	s31 =	simm.s32 $0x200;
	v10 =	vunpack.i.u.bf16.f32 v4;
	v4 =	vld [tilespmem:s8+$0x13AD0];
	v9 =	vadd.f32 v9, v11  }
.LBB2_5:
0xb4: {  	p1 =	sne.s32 s31, $0x9E00;
	v8 =	vadd.f32 v8, v10;
	v10 =	vunpack.i.l.bf16.f32 v3;
	v11 =	vld [tilespmem:s8+$0x13AE0]  }
0xb5: {  	s0 =	sshra.s32 s31, $0x2;
	v3 =	vunpack.i.u.bf16.f32 v3;
	v9 =	vmax.f32 v9, $0.0e+00;
	v7 =	vadd.f32 v7, v10;
	v10 =	vld [tilespmem:s8+$0x13AF0]  }
0xb6: {  	v12 =	vld [tilespmem:s0+$0x18A80];
	[tilespmem:s8+$0x13A80] =	vst v9;
	v8 =	vmax.f32 v8, $0.0e+00;
	v6 =	vadd.f32 v6, v3;
	v9 =	vunpack.i.l.bf16.f32 v2  }
0xb7: {  	v3 =	vld [tilespmem:s0+$0x18A90];
	[tilespmem:s8+$0x13A90] =	vst v8;
	v7 =	vmax.f32 v7, $0.0e+00;
	v8 =	vunpack.i.u.bf16.f32 v2;
	v5 =	vadd.f32 v5, v9  }
0xb8: {  	v2 =	vld [tilespmem:s0+$0x18AA0];
	[tilespmem:s8+$0x13AA0] =	vst v7;
	v6 =	vmax.f32 v6, $0.0e+00;
	v4 =	vadd.f32 v4, v8;
	v7 =	vunpack.i.l.bf16.f32 v1  }
0xb9: {  	[tilespmem:s8+$0x13AB0] =	vst v6;
	v5 =	vmax.f32 v5, $0.0e+00;
	v6 =	vunpack.i.u.bf16.f32 v1;
	v1 =	vld [tilespmem:s0+$0x18AB0];
	v7 =	vadd.f32 v11, v7  }
0xba: {  	v9 =	vld [tilespmem:s0+$0x13A80];
	[tilespmem:s8+$0x13AC0] =	vst v5;
	v4 =	vmax.f32 v4, $0.0e+00;
	v5 =	vadd.f32 v10, v6  }
.Ltmp5:
0xbb: {  	v8 =	vld [tilespmem:s0+$0x13A90];
	[tilespmem:s8+$0x13AD0] =	vst v4;
	v4 =	vmax.f32 v7, $0.0e+00;
	(pc) =	sbr.rel @p1 .LBB2_5-.Ltmp5, $4  }
0xbc: {  	v7 =	vld [tilespmem:s0+$0x13AA0];
	[tilespmem:s8+$0x13AE0] =	vst v4;
	v4 =	vmax.f32 v5, $0.0e+00  }
0xbd: {  	v6 =	vld [tilespmem:s0+$0x13AB0];
	[tilespmem:s8+$0x13AF0] =	vst v4;
	s8 =	smov.u32 s0  }
0xbe: {  	v4 =	vunpack.i.l.bf16.f32 v12;
	v5 =	vld [tilespmem:s8+$0x13AC0]  }
0xbf: {  	s31 =	sadd.s32 $0x200, s31;
	v10 =	vunpack.i.u.bf16.f32 v12;
	v9 =	vadd.f32 v9, v4;
	v4 =	vld [tilespmem:s8+$0x13AD0]  }
0xc0: {  	v8 =	vadd.f32 v8, v10;
	v60 =	vunpack.i.l.bf16.f32 v3;
	v11 =	vld [tilespmem:s8+$0x13AE0]  }
0xc1: {  	v3 =	vunpack.i.u.bf16.f32 v3;
	v61 =	vld [tilespmem:s8+$0x13AF0];
	v9 =	vmax.f32 v9, $0.0e+00;
	v7 =	vadd.f32 v7, v60  }
0xc2: {  	v62 =	vunpack.i.l.bf16.f32 v2;
	[tilespmem:s8+$0x13A80] =	vst v9;
	v8 =	vmax.f32 v8, $0.0e+00;
	v3 =	vadd.f32 v6, v3  }
0xc3: {  	v2 =	vunpack.i.u.bf16.f32 v2;
	[tilespmem:s8+$0x13A90] =	vst v8;
	v7 =	vmax.f32 v7, $0.0e+00;
	v5 =	vadd.f32 v5, v62  }
0xc4: {  	v63 =	vunpack.i.l.bf16.f32 v1;
	[tilespmem:s8+$0x13AA0] =	vst v7;
	v3 =	vmax.f32 v3, $0.0e+00;
	v2 =	vadd.f32 v4, v2  }
0xc5: {  	v1 =	vunpack.i.u.bf16.f32 v1;
	[tilespmem:s8+$0x13AB0] =	vst v3;
	v3 =	vmax.f32 v5, $0.0e+00;
	v4 =	vadd.f32 v11, v63  }
0xc6: {  	v1 =	vadd.f32 v61, v1;
	[tilespmem:s8+$0x13AC0] =	vst v3;
	v2 =	vmax.f32 v2, $0.0e+00  }
0xc7: {  	[tilespmem:s8+$0x13AD0] =	vst v2;
	v2 =	vmax.f32 v4, $0.0e+00  }
0xc8: {  	s0 =	sshll.u32 s30, $0x1;
	v1 =	vmax.f32 v1, $0.0e+00;
	[tilespmem:s8+$0x13AE0] =	vst v2  }
0xc9: {  	[tilespmem:s8+$0x13AF0] =	vst v1;
	s8 =	sadd.s32 s24, s0  }
0xca: {  	[spmem:s3] =	stream.indirect.scatter.add.f32 [tilespmem:s6], [sflag:$0x5], $0x80, s9, s10, $0xb8;
	[tilespmem:$0x1DA80] =	vst v63  }
0xcb: {  	s0 =	sadd.s32 $0x2, s8  }
0xcc: {  	p1 =	sge.u32 s0, s4  }
0xcd: {  	_ =	swait.ge [sflag:s7], $0x2800;
	s31 =	smul.u32 @!p1 $0xA, s0  }
0xce: {  	[sflag:s7] =	ssyncset.done $0x0;
	s16 =	simm.s32 @!p1 $0x0  }
0xcf: {  	s17 =	simm.s32 @!p1 $0x13880;
	[sflag:s7] =	ssyncadd.s32 $0xFFFFD800;
	s11 =	sadd.s32 @!p1 s14, s31  }
0xd0: {  	[tilespmem:s17], [sflag:$0x5] =	stream.linear.gather @!p1 [hbm4b:s11+s16], $0x50, $0x38;
	[tilespmem:$0x1DA80] =	vst v63  }
0xd1: {  	s11 =	simm.s32 @!p1 $0x5  }
0xd2: {  	_ =	swait.ge @!p1 [sflag:s11], $0x50  }
0xd3: {  	[sflag:s11] =	ssyncset.done @!p1 $0x0  }
0xd4: {  	s18 =	simm.s32 @!p1 $0x13980;
	s31 =	sadd.s32 @!p1 s2, s31;
	[sflag:s11] =	ssyncadd.s32 @!p1 $0xFFFFFFB0  }
0xd5: {  	[tilespmem:s18], [sflag:$0x5] =	stream.linear.gather @!p1 [hbm4b:s31+s16], $0x50, $0x38;
	[tilespmem:$0x1DA80] =	vst v63  }
0xd6: {  	s0 =	smul.u32 @!p1 $0x500, s0;
	_ =	swait.ge @!p1 [sflag:s11], $0x50  }
0xd7: {  	[sflag:s11] =	ssyncset.done @!p1 $0x0  }
0xd8: {  	s0 =	sadd.s32 @!p1 s15, s0;
	[sflag:s11] =	ssyncadd.s32 @!p1 $0xFFFFFFB0;
	s11 =	simm.s32 @!p1 $0x18A80  }
0xd9: {  	[tilespmem:s11], [sflag:$0x3] =	stream.linear.gather @!p1 [hbm4b:s0+s16], $0x2800, $0x38;
	[tilespmem:$0x1DA80] =	vst v63  }
0xda: {  	s0 =	simm.s32 @!p1 $0x50;
	s11 =	simm.s32 @!p1 $0x13A80  }
0xdb: {  	[tilespmem:s11], [sflag:$0x1] =	stream.indirect.gather @!p1 [hbm4b:s1+s0], $0x80, s17, s0, $0xb8;
	[tilespmem:$0x1DA80] =	vst v63  }
0xdc: {  	p1 =	sgt.u32 s30, $0x3D  }
.Ltmp6:
0xdd: {  	_ = 	snop;
	(pc) =	sbr.rel @p1 .LBB2_10-.Ltmp6, $1  }
0xde: {  	_ =	sdelay $0x3  }
0xdf: {  	_ =	swait.ge [sflag:s28], $0x2800  }
0xe0: {  	[sflag:s28] =	ssyncset.done $0x0  }
0xe1: {  	[sflag:s28] =	ssyncadd.s32 $0xFFFFD800  }
0xe2: {  	_ =	swait.ge [sflag:s29], $0x2800  }
0xe3: {  	[sflag:s29] =	ssyncset.done $0x0  }
0xe4: {  	s31 =	simm.s32 $0x0;
	[sflag:s29] =	ssyncadd.s32 $0xFFFFD800  }
0xe5: {  	v4 =	vld [tilespmem:s31+$0x1B280]  }
0xe6: {  	v3 =	vld [tilespmem:s31+$0x1B290]  }
0xe7: {  	v2 =	vld [tilespmem:s31+$0x1B2A0]  }
0xe8: {  	v1 =	vld [tilespmem:s31+$0x1B2B0]  }
0xe9: {  	v9 =	vld [tilespmem:s31+$0x16280]  }
0xea: {  	v8 =	vld [tilespmem:s31+$0x16290]  }
0xeb: {  	v7 =	vld [tilespmem:s31+$0x162A0]  }
0xec: {  	v6 =	vld [tilespmem:s31+$0x162B0]  }
0xed: {  	v5 =	vld [tilespmem:s31+$0x162C0];
	v11 =	vunpack.i.l.bf16.f32 v4  }
0xee: {  	s0 =	simm.s32 $0x200;
	v10 =	vunpack.i.u.bf16.f32 v4;
	v4 =	vld [tilespmem:s31+$0x162D0];
	v9 =	vadd.f32 v9, v11  }
.LBB2_8:
0xef: {  	p1 =	sne.s32 s0, $0x9E00;
	v8 =	vadd.f32 v8, v10;
	v10 =	vunpack.i.l.bf16.f32 v3;
	v11 =	vld [tilespmem:s31+$0x162E0]  }
0xf0: {  	s11 =	sshra.s32 s0, $0x2;
	v3 =	vunpack.i.u.bf16.f32 v3;
	v9 =	vmax.f32 v9, $0.0e+00;
	v7 =	vadd.f32 v7, v10;
	v10 =	vld [tilespmem:s31+$0x162F0]  }
0xf1: {  	v12 =	vld [tilespmem:s11+$0x1B280];
	[tilespmem:s31+$0x16280] =	vst v9;
	v8 =	vmax.f32 v8, $0.0e+00;
	v6 =	vadd.f32 v6, v3;
	v9 =	vunpack.i.l.bf16.f32 v2  }
0xf2: {  	v3 =	vld [tilespmem:s11+$0x1B290];
	[tilespmem:s31+$0x16290] =	vst v8;
	v7 =	vmax.f32 v7, $0.0e+00;
	v8 =	vunpack.i.u.bf16.f32 v2;
	v5 =	vadd.f32 v5, v9  }
0xf3: {  	v2 =	vld [tilespmem:s11+$0x1B2A0];
	[tilespmem:s31+$0x162A0] =	vst v7;
	v6 =	vmax.f32 v6, $0.0e+00;
	v4 =	vadd.f32 v4, v8;
	v7 =	vunpack.i.l.bf16.f32 v1  }
0xf4: {  	[tilespmem:s31+$0x162B0] =	vst v6;
	v5 =	vmax.f32 v5, $0.0e+00;
	v6 =	vunpack.i.u.bf16.f32 v1;
	v1 =	vld [tilespmem:s11+$0x1B2B0];
	v7 =	vadd.f32 v11, v7  }
0xf5: {  	v9 =	vld [tilespmem:s11+$0x16280];
	[tilespmem:s31+$0x162C0] =	vst v5;
	v4 =	vmax.f32 v4, $0.0e+00;
	v5 =	vadd.f32 v10, v6  }
.Ltmp7:
0xf6: {  	v8 =	vld [tilespmem:s11+$0x16290];
	[tilespmem:s31+$0x162D0] =	vst v4;
	v4 =	vmax.f32 v7, $0.0e+00;
	(pc) =	sbr.rel @p1 .LBB2_8-.Ltmp7, $4  }
0xf7: {  	v7 =	vld [tilespmem:s11+$0x162A0];
	[tilespmem:s31+$0x162E0] =	vst v4;
	v4 =	vmax.f32 v5, $0.0e+00  }
0xf8: {  	v6 =	vld [tilespmem:s11+$0x162B0];
	[tilespmem:s31+$0x162F0] =	vst v4;
	s31 =	smov.u32 s11  }
0xf9: {  	v4 =	vunpack.i.l.bf16.f32 v12;
	v5 =	vld [tilespmem:s31+$0x162C0]  }
0xfa: {  	s0 =	sadd.s32 $0x200, s0;
	v10 =	vunpack.i.u.bf16.f32 v12;
	v9 =	vadd.f32 v9, v4;
	v4 =	vld [tilespmem:s31+$0x162D0]  }
0xfb: {  	v8 =	vadd.f32 v8, v10;
	v60 =	vunpack.i.l.bf16.f32 v3;
	v11 =	vld [tilespmem:s31+$0x162E0]  }
0xfc: {  	v3 =	vunpack.i.u.bf16.f32 v3;
	v61 =	vld [tilespmem:s31+$0x162F0];
	v9 =	vmax.f32 v9, $0.0e+00;
	v7 =	vadd.f32 v7, v60  }
0xfd: {  	v62 =	vunpack.i.l.bf16.f32 v2;
	[tilespmem:s31+$0x16280] =	vst v9;
	v8 =	vmax.f32 v8, $0.0e+00;
	v3 =	vadd.f32 v6, v3  }
0xfe: {  	v2 =	vunpack.i.u.bf16.f32 v2;
	[tilespmem:s31+$0x16290] =	vst v8;
	v7 =	vmax.f32 v7, $0.0e+00;
	v5 =	vadd.f32 v5, v62  }
0xff: {  	v63 =	vunpack.i.l.bf16.f32 v1;
	[tilespmem:s31+$0x162A0] =	vst v7;
	v3 =	vmax.f32 v3, $0.0e+00;
	v2 =	vadd.f32 v4, v2  }
0x100: {  	v1 =	vunpack.i.u.bf16.f32 v1;
	[tilespmem:s31+$0x162B0] =	vst v3;
	v3 =	vmax.f32 v5, $0.0e+00;
	v4 =	vadd.f32 v11, v63  }
0x101: {  	v1 =	vadd.f32 v61, v1;
	[tilespmem:s31+$0x162C0] =	vst v3;
	v2 =	vmax.f32 v2, $0.0e+00  }
0x102: {  	[tilespmem:s31+$0x162D0] =	vst v2;
	v2 =	vmax.f32 v4, $0.0e+00  }
0x103: {  	s0 =	sadd.s32 $0x3, s8;
	v1 =	vmax.f32 v1, $0.0e+00;
	[tilespmem:s31+$0x162E0] =	vst v2  }
0x104: {  	p1 =	sge.u32 s0, s4;
	[tilespmem:s31+$0x162F0] =	vst v1  }
0x105: {  	[spmem:s3] =	stream.indirect.scatter.add.f32 [tilespmem:s13], [sflag:$0x5], $0x80, s12, s10, $0xb8;
	[tilespmem:$0x1DA80] =	vst v63  }
0x106: {  	s8 =	smul.u32 @!p1 $0xA, s0;
	_ =	swait.ge [sflag:s7], $0x2800  }
0x107: {  	s16 =	simm.s32 @!p1 $0x0;
	[sflag:s7] =	ssyncset.done $0x0  }
0x108: {  	s17 =	simm.s32 @!p1 $0x13900;
	s11 =	sadd.s32 @!p1 s14, s8;
	[sflag:s7] =	ssyncadd.s32 $0xFFFFD800  }
0x109: {  	[tilespmem:s17], [sflag:$0x5] =	stream.linear.gather @!p1 [hbm4b:s11+s16], $0x50, $0x38;
	[tilespmem:$0x1DA80] =	vst v63  }
0x10a: {  	s11 =	simm.s32 @!p1 $0x5  }
0x10b: {  	_ =	swait.ge @!p1 [sflag:s11], $0x50  }
0x10c: {  	[sflag:s11] =	ssyncset.done @!p1 $0x0  }
0x10d: {  	s18 =	simm.s32 @!p1 $0x13A00;
	s8 =	sadd.s32 @!p1 s2, s8;
	[sflag:s11] =	ssyncadd.s32 @!p1 $0xFFFFFFB0  }
0x10e: {  	[tilespmem:s18], [sflag:$0x5] =	stream.linear.gather @!p1 [hbm4b:s8+s16], $0x50, $0x38;
	[tilespmem:$0x1DA80] =	vst v63  }
0x10f: {  	s0 =	smul.u32 @!p1 $0x500, s0;
	_ =	swait.ge @!p1 [sflag:s11], $0x50  }
.Ltmp8:
0x110: {  	[sflag:s11] =	ssyncset.done @!p1 $0x0;
	(pc) =	sbr.rel .LBB2_10-.Ltmp8, $4  }
0x111: {  	s0 =	sadd.s32 @!p1 s15, s0;
	s8 =	simm.s32 @!p1 $0x1B280;
	[sflag:s11] =	ssyncadd.s32 @!p1 $0xFFFFFFB0  }
0x112: {  	[tilespmem:s8], [sflag:$0x4] =	stream.linear.gather @!p1 [hbm4b:s0+s16], $0x2800, $0x38;
	[tilespmem:$0x1DA80] =	vst v63  }
0x113: {  	s0 =	simm.s32 @!p1 $0x50;
	s8 =	simm.s32 @!p1 $0x16280  }
0x114: {  	[tilespmem:s8], [sflag:$0x2] =	stream.indirect.gather @!p1 [hbm4b:s1+s0], $0x80, s17, s0, $0xb8;
	[tilespmem:$0x1DA80] =	vst v63  }
.LBB2_12:
0x115: {  	_ =	sfence.sel $0x180000  }
0x116: {  	[bflag:$0x0] =	sbarrier.arrive $0xFFFF  }
0x117: {  	_ =	strace $0x90000047  }
0x118: {  	s0 =	stileid.u32;
	[bflag:$0x2] =	sbarrier.arrive $0xFFFF  }
0x119: {  	p0 =	sne.s32 s0, $0x0;
	s0 =	rddreg [dreg:$0x4]  }
0x11a: {  	s0 =	sadd.s32 @!p0 $0x100000, s0  }
0x11b: {  	[sflag:s0] =	ssyncadd.tile.s32 @!p0 $0x1;
	_ =	shalt  }
.Lfunc_end2:
_tile_overlayer_lowered:
.L_overlay_start_2:
0x11c: {  	(tag) =	ssettag $0x2  }
0x11d: {  	s0 =	rddreg [dreg:$0x0];
	s2 =	stileid.u32  }
0x11e: {  	s1 =	rddreg [dreg:$0x1];
	p0 =	sne.s32 s2, $0x0  }
0x11f: {  	s3 =	rddreg [dreg:$0x2];
	[bflag:$0x3] =	sbarrier.arrive $0xFFFF;
	s2 =	simm.s32 @!p0 $0x1C05  }
0x120: {  	[timem:s3], [sflag:s2] =	dma.local @!p0 [hbm:s0], s1  }
0x121: {  	s0 =	simm.s32 @!p0 $0x5  }
0x122: {  	_ =	swait.ge @!p0 [sflag:s0], s1  }
0x123: {  	s1 =	ssub.s32 @!p0 $0x0, s1;
	[sflag:s0] =	ssyncset.done @!p0 $0x0  }
0x124: {  	[sflag:s0] =	ssyncadd.s32 @!p0 s1  }
0x125: {  	[bflag:$0x3] =	sbarrier.arrive $0xFFFF  }
0x126: {  	_ =	shalt  }

</sc_bundles>
